<compile_context>
chip_gen: v7x
topology: tpu7x:2x2x1
jax: 0.10.2.dev20260603
libtpu: 0.0.44.dev20260713+nightly
codegen_flags: <defaults>
</compile_context>

<pallas_src>
import functools

import numpy as np
import jax
import jax.numpy as jnp
from jax import lax
from jax.experimental import pallas as pl
from jax.experimental.pallas import tpu as pltpu
from jax.experimental.pallas import tpu_sc as plsc

_MASK_ID = 32000
_T = 10
_B, _S = 4, 8192

_NC, _NS = 2, 16
_NW = _NC * _NS
_CHUNK = _B * _S // _NW
_CPR = _S // _CHUNK
_V = 16


def _np_mask_tables():
    ks = (np.uint32(0), np.uint32(42), np.uint32(0x1BD11BDA ^ 42))
    rot = ((13, 15, 26, 6), (17, 29, 16, 24))
    n = np.arange(_B * _S, dtype=np.uint32)
    x0 = np.full_like(n, ks[0])
    x1 = n + ks[1]
    for i in range(5):
        for r in rot[i % 2]:
            x0 = (x0 + x1).astype(np.uint32)
            x1 = (((x1 << np.uint32(r)) | (x1 >> np.uint32(32 - r))) ^ x0).astype(
                np.uint32
            )
        x0 = (x0 + ks[(i + 1) % 3]).astype(np.uint32)
        x1 = (x1 + ks[(i + 2) % 3] + np.uint32(i + 1)).astype(np.uint32)
    mant = ((x0 ^ x1) >> np.uint32(9)).astype(np.int32).reshape(_B, _S)

    p = (np.arange(_T, dtype=np.float64) * 0.1).astype(np.float32)
    thr = np.ceil(p.astype(np.float64) * 2.0**23).astype(np.int32)

    mb = np.zeros((_B * _T, _S), np.bool_)
    for i in range(_B):
        for t in range(_T):
            mb[i * _T + t] = mant[i] < thr[t]
    return mb.astype(np.int32), mb


_MI32, _MB = _np_mask_tables()

_mesh = plsc.VectorSubcoreMesh(core_axis_name="c", subcore_axis_name="s")


@functools.partial(
    pl.kernel,
    out_type=(
        jax.ShapeDtypeStruct((_B, _S), jnp.int32),
        jax.ShapeDtypeStruct((_B, _S), jnp.int32),
        jax.ShapeDtypeStruct((_B, _S), jnp.bool_),
    ),
    mesh=_mesh,
    compiler_params=pltpu.CompilerParams(needs_layout_passes=False),
    scratch_types=[
        pltpu.VMEM((_V,), jnp.int32),
        pltpu.VMEM((_CHUNK,), jnp.int32),
        pltpu.VMEM((_CHUNK,), jnp.int32),
        pltpu.VMEM((_CHUNK,), jnp.int32),
        pltpu.VMEM((_CHUNK,), jnp.int32),
        pltpu.SemaphoreType.DMA,
        pltpu.SemaphoreType.DMA,
    ],
)
def _sc_mask(
    t_hbm,
    tokens_hbm,
    mi_hbm,
    mb_hbm,
    noisy_hbm,
    labels_hbm,
    mask_hbm,
    tvm,
    civ,
    tokv,
    nozv,
    labv,
    sem_in,
    sem_out,
):
    wid = lax.axis_index("c") * _NS + lax.axis_index("s")
    row = wid // _CPR
    col0 = (wid % _CPR) * _CHUNK

    cp_tok = pltpu.async_copy(
        tokens_hbm.at[row, pl.ds(col0, _CHUNK)], tokv, sem_in
    )
    cp_t = pltpu.async_copy(t_hbm, tvm.at[pl.ds(0, _B)], sem_out)
    cp_t.wait()
    lanes = lax.iota(jnp.int32, _V)
    tr = jnp.max(jnp.where(lanes == row, tvm[...], 0), axis=0)
    tr = jnp.clip(tr, 0, _T - 1)
    g = row * _T + tr

    cp_mask = pltpu.async_copy(
        mb_hbm.at[g, pl.ds(col0, _CHUNK)],
        mask_hbm.at[row, pl.ds(col0, _CHUNK)],
        sem_out,
    )
    cp_ci = pltpu.async_copy(mi_hbm.at[g, pl.ds(col0, _CHUNK)], civ, sem_in)
    cp_tok.wait()
    cp_ci.wait()

    for j in range(_CHUNK // _V):
        sl = pl.ds(j * _V, _V)
        v = tokv[sl]
        c = civ[sl] != 0
        nozv[sl] = jnp.where(c, jnp.int32(_MASK_ID), v)
        labv[sl] = jnp.where(c, v, jnp.int32(-100))
    cp_noz = pltpu.async_copy(nozv, noisy_hbm.at[row, pl.ds(col0, _CHUNK)], sem_in)
    cp_lab = pltpu.async_copy(labv, labels_hbm.at[row, pl.ds(col0, _CHUNK)], sem_in)
    cp_mask.wait()
    cp_noz.wait()
    cp_lab.wait()


def kernel(tokens, t):
    noisy, labels, mask = _sc_mask(t, tokens, _MI32, _MB)
    return (noisy, labels, t, mask)

# --- scband reference (transcript-rebuilt; emitter-appended) ---
"""Pipeline reference for scband-simple-masking-diffusion-5669356830833 (READ-ONLY COPY).

The authoritative reference and input builder live on the scoring server;
editing this copy changes nothing except your own understanding.
"""

import jax, jax.numpy as jnp
import numpy as np

MASK_TOKEN_ID = 32000
MASK_PROB_MIN = 0.0
MASK_PROB_MAX = 0.9
TIMESTEPS = 10
BATCH = 4
SEQ_LEN = 8192


def setup_inputs(seed: int = 0) -> dict:
    key = jax.random.key(seed)
    k1, k2 = jax.random.split(key)
    tokens = jax.random.randint(k1, (BATCH, SEQ_LEN), 0, MASK_TOKEN_ID, dtype=jnp.int32)
    t = jax.random.randint(k2, (BATCH,), 0, TIMESTEPS, dtype=jnp.int32)
    return {"tokens": tokens, "t": t}


def reference(tokens, t):
    # mask_probs buffer: linspace(mask_prob_min, mask_prob_max, timesteps)
    mask_probs = jnp.linspace(MASK_PROB_MIN, MASK_PROB_MAX, TIMESTEPS)
    # per-sample mask probability: mask_probs[min(t_i, timesteps-1)]
    t_clipped = jnp.clip(t, 0, TIMESTEPS - 1)
    mask_probs_t = jnp.take(mask_probs, t_clipped, axis=0)  # [batch]
    batch_size, seq_len = tokens.shape
    mask_prob_matrix = jnp.broadcast_to(mask_probs_t[:, None], (batch_size, seq_len))
    # bernoulli masking (fixed key for determinism, matching torch.bernoulli sampling semantics)
    mask_key = jax.random.key(42)
    mask = jax.random.bernoulli(mask_key, mask_prob_matrix)  # bool [batch, seq_len]
    # noisy_tokens: masked positions replaced by mask_token_id (scatter-overwrite semantics)
    noisy_tokens = jnp.where(mask, jnp.int32(MASK_TOKEN_ID), tokens)
    # labels: -100 everywhere except masked positions which keep the original token
    labels = jnp.where(mask, tokens, jnp.int32(-100))
    return (noisy_tokens, labels, t, mask)

if __name__ == "__main__":
    import jax
    _d = setup_inputs()
    print(jax.jit(kernel)(*tuple(_d.values())))

</pallas_src>

<mosaic_0001>
#map = affine_map<(d0, d1) -> (0)>
#map1 = affine_map<(d0, d1) -> (0, 0)>
module attributes {stable_mosaic.version = 14 : i64} {
  func.func @_sc_mask(%arg0: i32, %arg1: i32, %arg2: memref<4xi32, #tpu.memory_space<hbm>>, %arg3: memref<4x8192xi32, #tpu.memory_space<hbm>>, %arg4: memref<40x8192xi32, #tpu.memory_space<hbm>>, %arg5: memref<40x8192xi32, #tpu.memory_space<hbm>>, %arg6: memref<4x8192xi32, #tpu.memory_space<hbm>>, %arg7: memref<4x8192xi32, #tpu.memory_space<hbm>>, %arg8: memref<4x8192xi32, #tpu.memory_space<hbm>>, %arg9: memref<16xi32, #tpu.memory_space<vmem>>, %arg10: memref<1024xi32, #tpu.memory_space<vmem>>, %arg11: memref<1024xi32, #tpu.memory_space<vmem>>, %arg12: memref<1024xi32, #tpu.memory_space<vmem>>, %arg13: memref<1024xi32, #tpu.memory_space<vmem>>, %arg14: memref<!tpu.dma_semaphore, #tpu.memory_space<semaphore_mem>>, %arg15: memref<!tpu.dma_semaphore, #tpu.memory_space<semaphore_mem>>) attributes {dimension_semantics = [#tpu.dimension_semantics<core_parallel>, #tpu.dimension_semantics<subcore_parallel>], iteration_bounds = array<i64: 2, 16>, scalar_prefetch = 0 : i64, scratch_operands = 7 : i64, tpu.core_type = #tpu.core_type<sc_vector_subcore>, window_params = [{transform_indices = #map}, {transform_indices = #map1}, {transform_indices = #map1}, {transform_indices = #map1}, {transform_indices = #map1}, {transform_indices = #map1}, {transform_indices = #map1}]} {
    %mul3A = arith.constant 16 : i32
    %mul3A_0 = arith.muli %arg0, %mul3A : i32
    %add3A = arith.addi %mul3A_0, %arg1 : i32
    %jit3A = arith.constant 8 : i32
    %div3A = arith.divsi %add3A, %jit3A : i32
    %sign3A = arith.constant 0 : i32
    %sign3A_1 = arith.cmpi sgt, %add3A, %sign3A : i32
    %sign3A_2 = arith.extui %sign3A_1 : i1 to i32
    %sign3A_3 = arith.constant 0 : i32
    %sign3A_4 = arith.cmpi slt, %add3A, %sign3A_3 : i32
    %sign3A_5 = arith.extui %sign3A_4 : i1 to i32
    %sign3A_6 = arith.subi %sign3A_2, %sign3A_5 : i32
    %sign3A_7 = arith.constant 0 : i32
    %sign3A_8 = arith.cmpi sgt, %jit3A, %sign3A_7 : i32
    %sign3A_9 = arith.extui %sign3A_8 : i1 to i32
    %sign3A_10 = arith.constant 0 : i32
    %sign3A_11 = arith.cmpi slt, %jit3A, %sign3A_10 : i32
    %sign3A_12 = arith.extui %sign3A_11 : i1 to i32
    %sign3A_13 = arith.subi %sign3A_9, %sign3A_12 : i32
    %ne3A = arith.cmpi ne, %sign3A_6, %sign3A_13 : i32
    %rem3A = arith.remsi %add3A, %jit3A : i32
    %ne3A_14 = arith.constant 0 : i32
    %ne3A_15 = arith.cmpi ne, %rem3A, %ne3A_14 : i32
    %and3A = arith.andi %ne3A, %ne3A_15 : i1
    %sub3A = arith.constant 1 : i32
    %sub3A_16 = arith.subi %div3A, %sub3A : i32
    %select_n3A = arith.select %and3A, %sub3A_16, %div3A : i32
    %jit3A_17 = arith.constant 8 : i32
    %eq3A = arith.constant 0 : i32
    %eq3A_18 = arith.cmpi eq, %jit3A_17, %eq3A : i32
    %jit3A_19 = arith.constant 1 : i32
    %select_n3A_20 = arith.select %eq3A_18, %jit3A_19, %jit3A_17 : i32
    %rem3A_21 = arith.remsi %add3A, %select_n3A_20 : i32
    %ne3A_22 = arith.constant 0 : i32
    %ne3A_23 = arith.cmpi ne, %rem3A_21, %ne3A_22 : i32
    %lt3A = arith.constant 0 : i32
    %lt3A_24 = arith.cmpi slt, %rem3A_21, %lt3A : i32
    %lt3A_25 = arith.constant 0 : i32
    %lt3A_26 = arith.cmpi slt, %select_n3A_20, %lt3A_25 : i32
    %ne3A_27 = arith.xori %lt3A_24, %lt3A_26 : i1
    %and3A_28 = arith.andi %ne3A_27, %ne3A_23 : i1
    %add3A_29 = arith.addi %rem3A_21, %select_n3A_20 : i32
    %select_n3A_30 = arith.select %and3A_28, %add3A_29, %rem3A_21 : i32
    %mul3A_31 = arith.constant 1024 : i32
    %mul3A_32 = arith.muli %select_n3A_30, %mul3A_31 : i32
    %dma_start3A = tpu.memref_slice %arg3[%select_n3A, %mul3A_32] : memref<4x8192xi32, #tpu.memory_space<hbm>> -> memref<1x1024xi32, #tpu.memory_space<hbm>>
    %dma_start3A_33 = tpu.memref_squeeze %dma_start3A : memref<1x1024xi32, #tpu.memory_space<hbm>> -> memref<1024xi32, #tpu.memory_space<hbm>>
    %dma_start3A_34 = tpu.memref_slice %arg3[%select_n3A, %mul3A_32] : memref<4x8192xi32, #tpu.memory_space<hbm>> -> memref<1x1024xi32, #tpu.memory_space<hbm>>
    %dma_start3A_35 = tpu.memref_squeeze %dma_start3A_34 : memref<1x1024xi32, #tpu.memory_space<hbm>> -> memref<1024xi32, #tpu.memory_space<hbm>>
    tpu.enqueue_dma source(%dma_start3A_35 : memref<1024xi32, #tpu.memory_space<hbm>>) target(%arg11 : memref<1024xi32, #tpu.memory_space<vmem>>) target_semaphore(%arg14 : memref<!tpu.dma_semaphore, #tpu.memory_space<semaphore_mem>>)
    %dma_start3A_36 = arith.constant 0 : i32
    %dma_start3A_37 = tpu.memref_slice %arg9[%dma_start3A_36] : memref<16xi32, #tpu.memory_space<vmem>> -> memref<4xi32, #tpu.memory_space<vmem>>
    %dma_start3A_38 = arith.constant 0 : i32
    %dma_start3A_39 = tpu.memref_slice %arg9[%dma_start3A_38] : memref<16xi32, #tpu.memory_space<vmem>> -> memref<4xi32, #tpu.memory_space<vmem>>
    tpu.enqueue_dma source(%arg2 : memref<4xi32, #tpu.memory_space<hbm>>) target(%dma_start3A_39 : memref<4xi32, #tpu.memory_space<vmem>>) target_semaphore(%arg15 : memref<!tpu.dma_semaphore, #tpu.memory_space<semaphore_mem>>)
    %dma_wait3A = arith.constant 0 : i32
    %dma_wait3A_40 = tpu.memref_slice %arg9[%dma_wait3A] : memref<16xi32, #tpu.memory_space<vmem>> -> memref<4xi32, #tpu.memory_space<vmem>>
    %dma_wait3A_41 = arith.constant 0 : i32
    %dma_wait3A_42 = tpu.memref_slice %arg9[%dma_wait3A_41] : memref<16xi32, #tpu.memory_space<vmem>> -> memref<4xi32, #tpu.memory_space<vmem>>
    tpu.wait_dma2 semaphore(%arg15 : memref<!tpu.dma_semaphore, #tpu.memory_space<semaphore_mem>>) src(%arg2 : memref<4xi32, #tpu.memory_space<hbm>>) dst(%dma_wait3A_42 : memref<4xi32, #tpu.memory_space<vmem>>)
    %iota3A = tpu.iota {dimensions = array<i32: 0>} : vector<16xi32>
    %eq3A_43 = vector.broadcast %select_n3A : i32 to vector<16xi32>
    %eq3A_44 = arith.cmpi eq, %iota3A, %eq3A_43 : vector<16xi32>
    %get3A = arith.constant 0 : index
    %get3A_45 = tpu.vector_load %arg9[%get3A] {strides = array<i32>} : memref<16xi32, #tpu.memory_space<vmem>>, vector<16xi32>,
    %jit3A_46 = arith.constant 0 : i32
    %broadcast_in_dim3A = vector.broadcast %jit3A_46 : i32 to vector<16xi32>
    %select_n3A_47 = arith.select %eq3A_44, %get3A_45, %broadcast_in_dim3A : vector<16xi1>, vector<16xi32>
    %reduce_max3A = arith.constant true
    %reduce_max3A_48 = vector.broadcast %reduce_max3A : i1 to vector<16xi1>
    %reduce_max3A_49 = arith.constant -2147483648 : i32
    %reduce_max3A_50 = vector.broadcast %reduce_max3A_49 : i32 to vector<16xi32>
    %reduce_max3A_51 = arith.xori %select_n3A_47, %reduce_max3A_50 : vector<16xi32>
    %reduce_max3A_52 = tpu.scan <max>, %reduce_max3A_51 masked %reduce_max3A_48 : vector<16xi32>, vector<16xi1> -> vector<16xi32>
    %reduce_max3A_53 = arith.xori %reduce_max3A_52, %reduce_max3A_50 : vector<16xi32>
    %reduce_max3A_54 = vector.extract %reduce_max3A_53[15] : i32 from vector<16xi32>
    %jit3A_55 = arith.constant 0 : i32
    %jit3A_56 = arith.constant 9 : i32
    %max3A = arith.maxsi %jit3A_55, %reduce_max3A_54 : i32
    %min3A = arith.minsi %jit3A_56, %max3A : i32
    %mul3A_57 = arith.constant 10 : i32
    %mul3A_58 = arith.muli %select_n3A, %mul3A_57 : i32
    %add3A_59 = arith.addi %mul3A_58, %min3A : i32
    %dma_start3A_60 = tpu.memref_slice %arg8[%select_n3A, %mul3A_32] : memref<4x8192xi32, #tpu.memory_space<hbm>> -> memref<1x1024xi32, #tpu.memory_space<hbm>>
    %dma_start3A_61 = tpu.memref_squeeze %dma_start3A_60 : memref<1x1024xi32, #tpu.memory_space<hbm>> -> memref<1024xi32, #tpu.memory_space<hbm>>
    %dma_start3A_62 = tpu.memref_slice %arg5[%add3A_59, %mul3A_32] : memref<40x8192xi32, #tpu.memory_space<hbm>> -> memref<1x1024xi32, #tpu.memory_space<hbm>>
    %dma_start3A_63 = tpu.memref_squeeze %dma_start3A_62 : memref<1x1024xi32, #tpu.memory_space<hbm>> -> memref<1024xi32, #tpu.memory_space<hbm>>
    tpu.enqueue_dma source(%dma_start3A_63 : memref<1024xi32, #tpu.memory_space<hbm>>) target(%dma_start3A_61 : memref<1024xi32, #tpu.memory_space<hbm>>) target_semaphore(%arg15 : memref<!tpu.dma_semaphore, #tpu.memory_space<semaphore_mem>>)
    %dma_start3A_64 = tpu.memref_slice %arg4[%add3A_59, %mul3A_32] : memref<40x8192xi32, #tpu.memory_space<hbm>> -> memref<1x1024xi32, #tpu.memory_space<hbm>>
    %dma_start3A_65 = tpu.memref_squeeze %dma_start3A_64 : memref<1x1024xi32, #tpu.memory_space<hbm>> -> memref<1024xi32, #tpu.memory_space<hbm>>
    %dma_start3A_66 = tpu.memref_slice %arg4[%add3A_59, %mul3A_32] : memref<40x8192xi32, #tpu.memory_space<hbm>> -> memref<1x1024xi32, #tpu.memory_space<hbm>>
    %dma_start3A_67 = tpu.memref_squeeze %dma_start3A_66 : memref<1x1024xi32, #tpu.memory_space<hbm>> -> memref<1024xi32, #tpu.memory_space<hbm>>
    tpu.enqueue_dma source(%dma_start3A_67 : memref<1024xi32, #tpu.memory_space<hbm>>) target(%arg10 : memref<1024xi32, #tpu.memory_space<vmem>>) target_semaphore(%arg14 : memref<!tpu.dma_semaphore, #tpu.memory_space<semaphore_mem>>)
    %dma_wait3A_68 = tpu.memref_slice %arg3[%select_n3A, %mul3A_32] : memref<4x8192xi32, #tpu.memory_space<hbm>> -> memref<1x1024xi32, #tpu.memory_space<hbm>>
    %dma_wait3A_69 = tpu.memref_squeeze %dma_wait3A_68 : memref<1x1024xi32, #tpu.memory_space<hbm>> -> memref<1024xi32, #tpu.memory_space<hbm>>
    %dma_wait3A_70 = tpu.memref_slice %arg3[%select_n3A, %mul3A_32] : memref<4x8192xi32, #tpu.memory_space<hbm>> -> memref<1x1024xi32, #tpu.memory_space<hbm>>
    %dma_wait3A_71 = tpu.memref_squeeze %dma_wait3A_70 : memref<1x1024xi32, #tpu.memory_space<hbm>> -> memref<1024xi32, #tpu.memory_space<hbm>>
    tpu.wait_dma2 semaphore(%arg14 : memref<!tpu.dma_semaphore, #tpu.memory_space<semaphore_mem>>) src(%dma_wait3A_71 : memref<1024xi32, #tpu.memory_space<hbm>>) dst(%arg11 : memref<1024xi32, #tpu.memory_space<vmem>>)
    %dma_wait3A_72 = tpu.memref_slice %arg4[%add3A_59, %mul3A_32] : memref<40x8192xi32, #tpu.memory_space<hbm>> -> memref<1x1024xi32, #tpu.memory_space<hbm>>
    %dma_wait3A_73 = tpu.memref_squeeze %dma_wait3A_72 : memref<1x1024xi32, #tpu.memory_space<hbm>> -> memref<1024xi32, #tpu.memory_space<hbm>>
    %dma_wait3A_74 = tpu.memref_slice %arg4[%add3A_59, %mul3A_32] : memref<40x8192xi32, #tpu.memory_space<hbm>> -> memref<1x1024xi32, #tpu.memory_space<hbm>>
    %dma_wait3A_75 = tpu.memref_squeeze %dma_wait3A_74 : memref<1x1024xi32, #tpu.memory_space<hbm>> -> memref<1024xi32, #tpu.memory_space<hbm>>
    tpu.wait_dma2 semaphore(%arg14 : memref<!tpu.dma_semaphore, #tpu.memory_space<semaphore_mem>>) src(%dma_wait3A_75 : memref<1024xi32, #tpu.memory_space<hbm>>) dst(%arg10 : memref<1024xi32, #tpu.memory_space<vmem>>)
    %get3A_76 = arith.constant 0 : index
    %get3A_77 = tpu.vector_load %arg11[%get3A_76] {strides = array<i32>} : memref<1024xi32, #tpu.memory_space<vmem>>, vector<16xi32>,
    %get3A_78 = arith.constant 0 : index
    %get3A_79 = tpu.vector_load %arg10[%get3A_78] {strides = array<i32>} : memref<1024xi32, #tpu.memory_space<vmem>>, vector<16xi32>,
    %ne3A_80 = arith.constant 0 : i32
    %ne3A_81 = vector.broadcast %ne3A_80 : i32 to vector<16xi32>
    %ne3A_82 = arith.cmpi ne, %get3A_79, %ne3A_81 : vector<16xi32>
    %jit3A_83 = arith.constant 32000 : i32
    %broadcast_in_dim3A_84 = vector.broadcast %jit3A_83 : i32 to vector<16xi32>
    %select_n3A_85 = arith.select %ne3A_82, %broadcast_in_dim3A_84, %get3A_77 : vector<16xi1>, vector<16xi32>
    %swap3A = arith.constant 0 : index
    %swap3A_86 = tpu.vector_load %arg12[%swap3A] {strides = array<i32>} : memref<1024xi32, #tpu.memory_space<vmem>>, vector<16xi32>,
    tpu.vector_store %arg12[%swap3A], %select_n3A_85 {strides = array<i32>} : memref<1024xi32, #tpu.memory_space<vmem>>, vector<16xi32>,
    %jit3A_87 = arith.constant -100 : i32
    %broadcast_in_dim3A_88 = vector.broadcast %jit3A_87 : i32 to vector<16xi32>
    %select_n3A_89 = arith.select %ne3A_82, %get3A_77, %broadcast_in_dim3A_88 : vector<16xi1>, vector<16xi32>
    %swap3A_90 = arith.constant 0 : index
    %swap3A_91 = tpu.vector_load %arg13[%swap3A_90] {strides = array<i32>} : memref<1024xi32, #tpu.memory_space<vmem>>, vector<16xi32>,
    tpu.vector_store %arg13[%swap3A_90], %select_n3A_89 {strides = array<i32>} : memref<1024xi32, #tpu.memory_space<vmem>>, vector<16xi32>,
    %get3A_92 = arith.constant 16 : index
    %get3A_93 = tpu.vector_load %arg11[%get3A_92] {strides = array<i32>} : memref<1024xi32, #tpu.memory_space<vmem>>, vector<16xi32>,
    %get3A_94 = arith.constant 16 : index
    %get3A_95 = tpu.vector_load %arg10[%get3A_94] {strides = array<i32>} : memref<1024xi32, #tpu.memory_space<vmem>>, vector<16xi32>,
    %ne3A_96 = arith.constant 0 : i32
    %ne3A_97 = vector.broadcast %ne3A_96 : i32 to vector<16xi32>
    %ne3A_98 = arith.cmpi ne, %get3A_95, %ne3A_97 : vector<16xi32>
    %jit3A_99 = arith.constant 32000 : i32
    %broadcast_in_dim3A_100 = vector.broadcast %jit3A_99 : i32 to vector<16xi32>
    %select_n3A_101 = arith.select %ne3A_98, %broadcast_in_dim3A_100, %get3A_93 : vector<16xi1>, vector<16xi32>
    %swap3A_102 = arith.constant 16 : index
    %swap3A_103 = tpu.vector_load %arg12[%swap3A_102] {strides = array<i32>} : memref<1024xi32, #tpu.memory_space<vmem>>, vector<16xi32>,
    tpu.vector_store %arg12[%swap3A_102], %select_n3A_101 {strides = array<i32>} : memref<1024xi32, #tpu.memory_space<vmem>>, vector<16xi32>,
    %jit3A_104 = arith.constant -100 : i32
    %broadcast_in_dim3A_105 = vector.broadcast %jit3A_104 : i32 to vector<16xi32>
    %select_n3A_106 = arith.select %ne3A_98, %get3A_93, %broadcast_in_dim3A_105 : vector<16xi1>, vector<16xi32>
    %swap3A_107 = arith.constant 16 : index
    %swap3A_108 = tpu.vector_load %arg13[%swap3A_107] {strides = array<i32>} : memref<1024xi32, #tpu.memory_space<vmem>>, vector<16xi32>,
    tpu.vector_store %arg13[%swap3A_107], %select_n3A_106 {strides = array<i32>} : memref<1024xi32, #tpu.memory_space<vmem>>, vector<16xi32>,
    %get3A_109 = arith.constant 32 : index
    %get3A_110 = tpu.vector_load %arg11[%get3A_109] {strides = array<i32>} : memref<1024xi32, #tpu.memory_space<vmem>>, vector<16xi32>,
    %get3A_111 = arith.constant 32 : index
    %get3A_112 = tpu.vector_load %arg10[%get3A_111] {strides = array<i32>} : memref<1024xi32, #tpu.memory_space<vmem>>, vector<16xi32>,
    %ne3A_113 = arith.constant 0 : i32
    %ne3A_114 = vector.broadcast %ne3A_113 : i32 to vector<16xi32>
    %ne3A_115 = arith.cmpi ne, %get3A_112, %ne3A_114 : vector<16xi32>
    %jit3A_116 = arith.constant 32000 : i32
    %broadcast_in_dim3A_117 = vector.broadcast %jit3A_116 : i32 to vector<16xi32>
    %select_n3A_118 = arith.select %ne3A_115, %broadcast_in_dim3A_117, %get3A_110 : vector<16xi1>, vector<16xi32>
    %swap3A_119 = arith.constant 32 : index
    %swap3A_120 = tpu.vector_load %arg12[%swap3A_119] {strides = array<i32>} : memref<1024xi32, #tpu.memory_space<vmem>>, vector<16xi32>,
    tpu.vector_store %arg12[%swap3A_119], %select_n3A_118 {strides = array<i32>} : memref<1024xi32, #tpu.memory_space<vmem>>, vector<16xi32>,
    %jit3A_121 = arith.constant -100 : i32
    %broadcast_in_dim3A_122 = vector.broadcast %jit3A_121 : i32 to vector<16xi32>
    %select_n3A_123 = arith.select %ne3A_115, %get3A_110, %broadcast_in_dim3A_122 : vector<16xi1>, vector<16xi32>
    %swap3A_124 = arith.constant 32 : index
    %swap3A_125 = tpu.vector_load %arg13[%swap3A_124] {strides = array<i32>} : memref<1024xi32, #tpu.memory_space<vmem>>, vector<16xi32>,
    tpu.vector_store %arg13[%swap3A_124], %select_n3A_123 {strides = array<i32>} : memref<1024xi32, #tpu.memory_space<vmem>>, vector<16xi32>,
    %get3A_126 = arith.constant 48 : index
    %get3A_127 = tpu.vector_load %arg11[%get3A_126] {strides = array<i32>} : memref<1024xi32, #tpu.memory_space<vmem>>, vector<16xi32>,
    %get3A_128 = arith.constant 48 : index
    %get3A_129 = tpu.vector_load %arg10[%get3A_128] {strides = array<i32>} : memref<1024xi32, #tpu.memory_space<vmem>>, vector<16xi32>,
    %ne3A_130 = arith.constant 0 : i32
    %ne3A_131 = vector.broadcast %ne3A_130 : i32 to vector<16xi32>
    %ne3A_132 = arith.cmpi ne, %get3A_129, %ne3A_131 : vector<16xi32>
    %jit3A_133 = arith.constant 32000 : i32
    %broadcast_in_dim3A_134 = vector.broadcast %jit3A_133 : i32 to vector<16xi32>
    %select_n3A_135 = arith.select %ne3A_132, %broadcast_in_dim3A_134, %get3A_127 : vector<16xi1>, vector<16xi32>
    %swap3A_136 = arith.constant 48 : index
    %swap3A_137 = tpu.vector_load %arg12[%swap3A_136] {strides = array<i32>} : memref<1024xi32, #tpu.memory_space<vmem>>, vector<16xi32>,
    tpu.vector_store %arg12[%swap3A_136], %select_n3A_135 {strides = array<i32>} : memref<1024xi32, #tpu.memory_space<vmem>>, vector<16xi32>,
    %jit3A_138 = arith.constant -100 : i32
    %broadcast_in_dim3A_139 = vector.broadcast %jit3A_138 : i32 to vector<16xi32>
    %select_n3A_140 = arith.select %ne3A_132, %get3A_127, %broadcast_in_dim3A_139 : vector<16xi1>, vector<16xi32>
    %swap3A_141 = arith.constant 48 : index
    %swap3A_142 = tpu.vector_load %arg13[%swap3A_141] {strides = array<i32>} : memref<1024xi32, #tpu.memory_space<vmem>>, vector<16xi32>,
    tpu.vector_store %arg13[%swap3A_141], %select_n3A_140 {strides = array<i32>} : memref<1024xi32, #tpu.memory_space<vmem>>, vector<16xi32>,
    %get3A_143 = arith.constant 64 : index
    %get3A_144 = tpu.vector_load %arg11[%get3A_143] {strides = array<i32>} : memref<1024xi32, #tpu.memory_space<vmem>>, vector<16xi32>,
    %get3A_145 = arith.constant 64 : index
    %get3A_146 = tpu.vector_load %arg10[%get3A_145] {strides = array<i32>} : memref<1024xi32, #tpu.memory_space<vmem>>, vector<16xi32>,
    %ne3A_147 = arith.constant 0 : i32
    %ne3A_148 = vector.broadcast %ne3A_147 : i32 to vector<16xi32>
    %ne3A_149 = arith.cmpi ne, %get3A_146, %ne3A_148 : vector<16xi32>
    %jit3A_150 = arith.constant 32000 : i32
    %broadcast_in_dim3A_151 = vector.broadcast %jit3A_150 : i32 to vector<16xi32>
    %select_n3A_152 = arith.select %ne3A_149, %broadcast_in_dim3A_151, %get3A_144 : vector<16xi1>, vector<16xi32>
    %swap3A_153 = arith.constant 64 : index
    %swap3A_154 = tpu.vector_load %arg12[%swap3A_153] {strides = array<i32>} : memref<1024xi32, #tpu.memory_space<vmem>>, vector<16xi32>,
    tpu.vector_store %arg12[%swap3A_153], %select_n3A_152 {strides = array<i32>} : memref<1024xi32, #tpu.memory_space<vmem>>, vector<16xi32>,
    %jit3A_155 = arith.constant -100 : i32
    %broadcast_in_dim3A_156 = vector.broadcast %jit3A_155 : i32 to vector<16xi32>
    %select_n3A_157 = arith.select %ne3A_149, %get3A_144, %broadcast_in_dim3A_156 : vector<16xi1>, vector<16xi32>
    %swap3A_158 = arith.constant 64 : index
    %swap3A_159 = tpu.vector_load %arg13[%swap3A_158] {strides = array<i32>} : memref<1024xi32, #tpu.memory_space<vmem>>, vector<16xi32>,
    tpu.vector_store %arg13[%swap3A_158], %select_n3A_157 {strides = array<i32>} : memref<1024xi32, #tpu.memory_space<vmem>>, vector<16xi32>,
    %get3A_160 = arith.constant 80 : index
    %get3A_161 = tpu.vector_load %arg11[%get3A_160] {strides = array<i32>} : memref<1024xi32, #tpu.memory_space<vmem>>, vector<16xi32>,
    %get3A_162 = arith.constant 80 : index
    %get3A_163 = tpu.vector_load %arg10[%get3A_162] {strides = array<i32>} : memref<1024xi32, #tpu.memory_space<vmem>>, vector<16xi32>,
    %ne3A_164 = arith.constant 0 : i32
    %ne3A_165 = vector.broadcast %ne3A_164 : i32 to vector<16xi32>
    %ne3A_166 = arith.cmpi ne, %get3A_163, %ne3A_165 : vector<16xi32>
    %jit3A_167 = arith.constant 32000 : i32
    %broadcast_in_dim3A_168 = vector.broadcast %jit3A_167 : i32 to vector<16xi32>
    %select_n3A_169 = arith.select %ne3A_166, %broadcast_in_dim3A_168, %get3A_161 : vector<16xi1>, vector<16xi32>
    %swap3A_170 = arith.constant 80 : index
    %swap3A_171 = tpu.vector_load %arg12[%swap3A_170] {strides = array<i32>} : memref<1024xi32, #tpu.memory_space<vmem>>, vector<16xi32>,
    tpu.vector_store %arg12[%swap3A_170], %select_n3A_169 {strides = array<i32>} : memref<1024xi32, #tpu.memory_space<vmem>>, vector<16xi32>,
    %jit3A_172 = arith.constant -100 : i32
    %broadcast_in_dim3A_173 = vector.broadcast %jit3A_172 : i32 to vector<16xi32>
    %select_n3A_174 = arith.select %ne3A_166, %get3A_161, %broadcast_in_dim3A_173 : vector<16xi1>, vector<16xi32>
    %swap3A_175 = arith.constant 80 : index
    %swap3A_176 = tpu.vector_load %arg13[%swap3A_175] {strides = array<i32>} : memref<1024xi32, #tpu.memory_space<vmem>>, vector<16xi32>,
    tpu.vector_store %arg13[%swap3A_175], %select_n3A_174 {strides = array<i32>} : memref<1024xi32, #tpu.memory_space<vmem>>, vector<16xi32>,
    %get3A_177 = arith.constant 96 : index
    %get3A_178 = tpu.vector_load %arg11[%get3A_177] {strides = array<i32>} : memref<1024xi32, #tpu.memory_space<vmem>>, vector<16xi32>,
    %get3A_179 = arith.constant 96 : index
    %get3A_180 = tpu.vector_load %arg10[%get3A_179] {strides = array<i32>} : memref<1024xi32, #tpu.memory_space<vmem>>, vector<16xi32>,
    %ne3A_181 = arith.constant 0 : i32
    %ne3A_182 = vector.broadcast %ne3A_181 : i32 to vector<16xi32>
    %ne3A_183 = arith.cmpi ne, %get3A_180, %ne3A_182 : vector<16xi32>
    %jit3A_184 = arith.constant 32000 : i32
    %broadcast_in_dim3A_185 = vector.broadcast %jit3A_184 : i32 to vector<16xi32>
    %select_n3A_186 = arith.select %ne3A_183, %broadcast_in_dim3A_185, %get3A_178 : vector<16xi1>, vector<16xi32>
    %swap3A_187 = arith.constant 96 : index
    %swap3A_188 = tpu.vector_load %arg12[%swap3A_187] {strides = array<i32>} : memref<1024xi32, #tpu.memory_space<vmem>>, vector<16xi32>,
    tpu.vector_store %arg12[%swap3A_187], %select_n3A_186 {strides = array<i32>} : memref<1024xi32, #tpu.memory_space<vmem>>, vector<16xi32>,
    %jit3A_189 = arith.constant -100 : i32
    %broadcast_in_dim3A_190 = vector.broadcast %jit3A_189 : i32 to vector<16xi32>
    %select_n3A_191 = arith.select %ne3A_183, %get3A_178, %broadcast_in_dim3A_190 : vector<16xi1>, vector<16xi32>
    %swap3A_192 = arith.constant 96 : index
    %swap3A_193 = tpu.vector_load %arg13[%swap3A_192] {strides = array<i32>} : memref<1024xi32, #tpu.memory_space<vmem>>, vector<16xi32>,
    tpu.vector_store %arg13[%swap3A_192], %select_n3A_191 {strides = array<i32>} : memref<1024xi32, #tpu.memory_space<vmem>>, vector<16xi32>,
    %get3A_194 = arith.constant 112 : index
    %get3A_195 = tpu.vector_load %arg11[%get3A_194] {strides = array<i32>} : memref<1024xi32, #tpu.memory_space<vmem>>, vector<16xi32>,
    %get3A_196 = arith.constant 112 : index
    %get3A_197 = tpu.vector_load %arg10[%get3A_196] {strides = array<i32>} : memref<1024xi32, #tpu.memory_space<vmem>>, vector<16xi32>,
    %ne3A_198 = arith.constant 0 : i32
    %ne3A_199 = vector.broadcast %ne3A_198 : i32 to vector<16xi32>
    %ne3A_200 = arith.cmpi ne, %get3A_197, %ne3A_199 : vector<16xi32>
    %jit3A_201 = arith.constant 32000 : i32
    %broadcast_in_dim3A_202 = vector.broadcast %jit3A_201 : i32 to vector<16xi32>
    %select_n3A_203 = arith.select %ne3A_200, %broadcast_in_dim3A_202, %get3A_195 : vector<16xi1>, vector<16xi32>
    %swap3A_204 = arith.constant 112 : index
    %swap3A_205 = tpu.vector_load %arg12[%swap3A_204] {strides = array<i32>} : memref<1024xi32, #tpu.memory_space<vmem>>, vector<16xi32>,
    tpu.vector_store %arg12[%swap3A_204], %select_n3A_203 {strides = array<i32>} : memref<1024xi32, #tpu.memory_space<vmem>>, vector<16xi32>,
    %jit3A_206 = arith.constant -100 : i32
    %broadcast_in_dim3A_207 = vector.broadcast %jit3A_206 : i32 to vector<16xi32>
    %select_n3A_208 = arith.select %ne3A_200, %get3A_195, %broadcast_in_dim3A_207 : vector<16xi1>, vector<16xi32>
    %swap3A_209 = arith.constant 112 : index
    %swap3A_210 = tpu.vector_load %arg13[%swap3A_209] {strides = array<i32>} : memref<1024xi32, #tpu.memory_space<vmem>>, vector<16xi32>,
    tpu.vector_store %arg13[%swap3A_209], %select_n3A_208 {strides = array<i32>} : memref<1024xi32, #tpu.memory_space<vmem>>, vector<16xi32>,
    %get3A_211 = arith.constant 128 : index
    %get3A_212 = tpu.vector_load %arg11[%get3A_211] {strides = array<i32>} : memref<1024xi32, #tpu.memory_space<vmem>>, vector<16xi32>,
    %get3A_213 = arith.constant 128 : index
    %get3A_214 = tpu.vector_load %arg10[%get3A_213] {strides = array<i32>} : memref<1024xi32, #tpu.memory_space<vmem>>, vector<16xi32>,
    %ne3A_215 = arith.constant 0 : i32
    %ne3A_216 = vector.broadcast %ne3A_215 : i32 to vector<16xi32>
    %ne3A_217 = arith.cmpi ne, %get3A_214, %ne3A_216 : vector<16xi32>
    %jit3A_218 = arith.constant 32000 : i32
    %broadcast_in_dim3A_219 = vector.broadcast %jit3A_218 : i32 to vector<16xi32>
    %select_n3A_220 = arith.select %ne3A_217, %broadcast_in_dim3A_219, %get3A_212 : vector<16xi1>, vector<16xi32>
    %swap3A_221 = arith.constant 128 : index
    %swap3A_222 = tpu.vector_load %arg12[%swap3A_221] {strides = array<i32>} : memref<1024xi32, #tpu.memory_space<vmem>>, vector<16xi32>,
    tpu.vector_store %arg12[%swap3A_221], %select_n3A_220 {strides = array<i32>} : memref<1024xi32, #tpu.memory_space<vmem>>, vector<16xi32>,
    %jit3A_223 = arith.constant -100 : i32
    %broadcast_in_dim3A_224 = vector.broadcast %jit3A_223 : i32 to vector<16xi32>
    %select_n3A_225 = arith.select %ne3A_217, %get3A_212, %broadcast_in_dim3A_224 : vector<16xi1>, vector<16xi32>
    %swap3A_226 = arith.constant 128 : index
    %swap3A_227 = tpu.vector_load %arg13[%swap3A_226] {strides = array<i32>} : memref<1024xi32, #tpu.memory_space<vmem>>, vector<16xi32>,
    tpu.vector_store %arg13[%swap3A_226], %select_n3A_225 {strides = array<i32>} : memref<1024xi32, #tpu.memory_space<vmem>>, vector<16xi32>,
    %get3A_228 = arith.constant 144 : index
    %get3A_229 = tpu.vector_load %arg11[%get3A_228] {strides = array<i32>} : memref<1024xi32, #tpu.memory_space<vmem>>, vector<16xi32>,
    %get3A_230 = arith.constant 144 : index
    %get3A_231 = tpu.vector_load %arg10[%get3A_230] {strides = array<i32>} : memref<1024xi32, #tpu.memory_space<vmem>>, vector<16xi32>,
    %ne3A_232 = arith.constant 0 : i32
    %ne3A_233 = vector.broadcast %ne3A_232 : i32 to vector<16xi32>
    %ne3A_234 = arith.cmpi ne, %get3A_231, %ne3A_233 : vector<16xi32>
    %jit3A_235 = arith.constant 32000 : i32
    %broadcast_in_dim3A_236 = vector.broadcast %jit3A_235 : i32 to vector<16xi32>
    %select_n3A_237 = arith.select %ne3A_234, %broadcast_in_dim3A_236, %get3A_229 : vector<16xi1>, vector<16xi32>
    %swap3A_238 = arith.constant 144 : index
    %swap3A_239 = tpu.vector_load %arg12[%swap3A_238] {strides = array<i32>} : memref<1024xi32, #tpu.memory_space<vmem>>, vector<16xi32>,
    tpu.vector_store %arg12[%swap3A_238], %select_n3A_237 {strides = array<i32>} : memref<1024xi32, #tpu.memory_space<vmem>>, vector<16xi32>,
    %jit3A_240 = arith.constant -100 : i32
    %broadcast_in_dim3A_241 = vector.broadcast %jit3A_240 : i32 to vector<16xi32>
    %select_n3A_242 = arith.select %ne3A_234, %get3A_229, %broadcast_in_dim3A_241 : vector<16xi1>, vector<16xi32>
    %swap3A_243 = arith.constant 144 : index
    %swap3A_244 = tpu.vector_load %arg13[%swap3A_243] {strides = array<i32>} : memref<1024xi32, #tpu.memory_space<vmem>>, vector<16xi32>,
    tpu.vector_store %arg13[%swap3A_243], %select_n3A_242 {strides = array<i32>} : memref<1024xi32, #tpu.memory_space<vmem>>, vector<16xi32>,
    %get3A_245 = arith.constant 160 : index
    %get3A_246 = tpu.vector_load %arg11[%get3A_245] {strides = array<i32>} : memref<1024xi32, #tpu.memory_space<vmem>>, vector<16xi32>,
    %get3A_247 = arith.constant 160 : index
    %get3A_248 = tpu.vector_load %arg10[%get3A_247] {strides = array<i32>} : memref<1024xi32, #tpu.memory_space<vmem>>, vector<16xi32>,
    %ne3A_249 = arith.constant 0 : i32
    %ne3A_250 = vector.broadcast %ne3A_249 : i32 to vector<16xi32>
    %ne3A_251 = arith.cmpi ne, %get3A_248, %ne3A_250 : vector<16xi32>
    %jit3A_252 = arith.constant 32000 : i32
    %broadcast_in_dim3A_253 = vector.broadcast %jit3A_252 : i32 to vector<16xi32>
    %select_n3A_254 = arith.select %ne3A_251, %broadcast_in_dim3A_253, %get3A_246 : vector<16xi1>, vector<16xi32>
    %swap3A_255 = arith.constant 160 : index
    %swap3A_256 = tpu.vector_load %arg12[%swap3A_255] {strides = array<i32>} : memref<1024xi32, #tpu.memory_space<vmem>>, vector<16xi32>,
    tpu.vector_store %arg12[%swap3A_255], %select_n3A_254 {strides = array<i32>} : memref<1024xi32, #tpu.memory_space<vmem>>, vector<16xi32>,
    %jit3A_257 = arith.constant -100 : i32
    %broadcast_in_dim3A_258 = vector.broadcast %jit3A_257 : i32 to vector<16xi32>
    %select_n3A_259 = arith.select %ne3A_251, %get3A_246, %broadcast_in_dim3A_258 : vector<16xi1>, vector<16xi32>
    %swap3A_260 = arith.constant 160 : index
    %swap3A_261 = tpu.vector_load %arg13[%swap3A_260] {strides = array<i32>} : memref<1024xi32, #tpu.memory_space<vmem>>, vector<16xi32>,
    tpu.vector_store %arg13[%swap3A_260], %select_n3A_259 {strides = array<i32>} : memref<1024xi32, #tpu.memory_space<vmem>>, vector<16xi32>,
    %get3A_262 = arith.constant 176 : index
    %get3A_263 = tpu.vector_load %arg11[%get3A_262] {strides = array<i32>} : memref<1024xi32, #tpu.memory_space<vmem>>, vector<16xi32>,
    %get3A_264 = arith.constant 176 : index
    %get3A_265 = tpu.vector_load %arg10[%get3A_264] {strides = array<i32>} : memref<1024xi32, #tpu.memory_space<vmem>>, vector<16xi32>,
    %ne3A_266 = arith.constant 0 : i32
    %ne3A_267 = vector.broadcast %ne3A_266 : i32 to vector<16xi32>
    %ne3A_268 = arith.cmpi ne, %get3A_265, %ne3A_267 : vector<16xi32>
    %jit3A_269 = arith.constant 32000 : i32
    %broadcast_in_dim3A_270 = vector.broadcast %jit3A_269 : i32 to vector<16xi32>
    %select_n3A_271 = arith.select %ne3A_268, %broadcast_in_dim3A_270, %get3A_263 : vector<16xi1>, vector<16xi32>
    %swap3A_272 = arith.constant 176 : index
    %swap3A_273 = tpu.vector_load %arg12[%swap3A_272] {strides = array<i32>} : memref<1024xi32, #tpu.memory_space<vmem>>, vector<16xi32>,
    tpu.vector_store %arg12[%swap3A_272], %select_n3A_271 {strides = array<i32>} : memref<1024xi32, #tpu.memory_space<vmem>>, vector<16xi32>,
    %jit3A_274 = arith.constant -100 : i32
    %broadcast_in_dim3A_275 = vector.broadcast %jit3A_274 : i32 to vector<16xi32>
    %select_n3A_276 = arith.select %ne3A_268, %get3A_263, %broadcast_in_dim3A_275 : vector<16xi1>, vector<16xi32>
    %swap3A_277 = arith.constant 176 : index
    %swap3A_278 = tpu.vector_load %arg13[%swap3A_277] {strides = array<i32>} : memref<1024xi32, #tpu.memory_space<vmem>>, vector<16xi32>,
    tpu.vector_store %arg13[%swap3A_277], %select_n3A_276 {strides = array<i32>} : memref<1024xi32, #tpu.memory_space<vmem>>, vector<16xi32>,
    %get3A_279 = arith.constant 192 : index
    %get3A_280 = tpu.vector_load %arg11[%get3A_279] {strides = array<i32>} : memref<1024xi32, #tpu.memory_space<vmem>>, vector<16xi32>,
    %get3A_281 = arith.constant 192 : index
    %get3A_282 = tpu.vector_load %arg10[%get3A_281] {strides = array<i32>} : memref<1024xi32, #tpu.memory_space<vmem>>, vector<16xi32>,
    %ne3A_283 = arith.constant 0 : i32
    %ne3A_284 = vector.broadcast %ne3A_283 : i32 to vector<16xi32>
    %ne3A_285 = arith.cmpi ne, %get3A_282, %ne3A_284 : vector<16xi32>
    %jit3A_286 = arith.constant 32000 : i32
    %broadcast_in_dim3A_287 = vector.broadcast %jit3A_286 : i32 to vector<16xi32>
    %select_n3A_288 = arith.select %ne3A_285, %broadcast_in_dim3A_287, %get3A_280 : vector<16xi1>, vector<16xi32>
    %swap3A_289 = arith.constant 192 : index
    %swap3A_290 = tpu.vector_load %arg12[%swap3A_289] {strides = array<i32>} : memref<1024xi32, #tpu.memory_space<vmem>>, vector<16xi32>,
    tpu.vector_store %arg12[%swap3A_289], %select_n3A_288 {strides = array<i32>} : memref<1024xi32, #tpu.memory_space<vmem>>, vector<16xi32>,
    %jit3A_291 = arith.constant -100 : i32
    %broadcast_in_dim3A_292 = vector.broadcast %jit3A_291 : i32 to vector<16xi32>
    %select_n3A_293 = arith.select %ne3A_285, %get3A_280, %broadcast_in_dim3A_292 : vector<16xi1>, vector<16xi32>
    %swap3A_294 = arith.constant 192 : index
    %swap3A_295 = tpu.vector_load %arg13[%swap3A_294] {strides = array<i32>} : memref<1024xi32, #tpu.memory_space<vmem>>, vector<16xi32>,
    tpu.vector_store %arg13[%swap3A_294], %select_n3A_293 {strides = array<i32>} : memref<1024xi32, #tpu.memory_space<vmem>>, vector<16xi32>,
    %get3A_296 = arith.constant 208 : index
    %get3A_297 = tpu.vector_load %arg11[%get3A_296] {strides = array<i32>} : memref<1024xi32, #tpu.memory_space<vmem>>, vector<16xi32>,
    %get3A_298 = arith.constant 208 : index
    %get3A_299 = tpu.vector_load %arg10[%get3A_298] {strides = array<i32>} : memref<1024xi32, #tpu.memory_space<vmem>>, vector<16xi32>,
    %ne3A_300 = arith.constant 0 : i32
    %ne3A_301 = vector.broadcast %ne3A_300 : i32 to vector<16xi32>
    %ne3A_302 = arith.cmpi ne, %get3A_299, %ne3A_301 : vector<16xi32>
    %jit3A_303 = arith.constant 32000 : i32
    %broadcast_in_dim3A_304 = vector.broadcast %jit3A_303 : i32 to vector<16xi32>
    %select_n3A_305 = arith.select %ne3A_302, %broadcast_in_dim3A_304, %get3A_297 : vector<16xi1>, vector<16xi32>
    %swap3A_306 = arith.constant 208 : index
    %swap3A_307 = tpu.vector_load %arg12[%swap3A_306] {strides = array<i32>} : memref<1024xi32, #tpu.memory_space<vmem>>, vector<16xi32>,
    tpu.vector_store %arg12[%swap3A_306], %select_n3A_305 {strides = array<i32>} : memref<1024xi32, #tpu.memory_space<vmem>>, vector<16xi32>,
    %jit3A_308 = arith.constant -100 : i32
    %broadcast_in_dim3A_309 = vector.broadcast %jit3A_308 : i32 to vector<16xi32>
    %select_n3A_310 = arith.select %ne3A_302, %get3A_297, %broadcast_in_dim3A_309 : vector<16xi1>, vector<16xi32>
    %swap3A_311 = arith.constant 208 : index
    %swap3A_312 = tpu.vector_load %arg13[%swap3A_311] {strides = array<i32>} : memref<1024xi32, #tpu.memory_space<vmem>>, vector<16xi32>,
    tpu.vector_store %arg13[%swap3A_311], %select_n3A_310 {strides = array<i32>} : memref<1024xi32, #tpu.memory_space<vmem>>, vector<16xi32>,
    %get3A_313 = arith.constant 224 : index
    %get3A_314 = tpu.vector_load %arg11[%get3A_313] {strides = array<i32>} : memref<1024xi32, #tpu.memory_space<vmem>>, vector<16xi32>,
    %get3A_315 = arith.constant 224 : index
    %get3A_316 = tpu.vector_load %arg10[%get3A_315] {strides = array<i32>} : memref<1024xi32, #tpu.memory_space<vmem>>, vector<16xi32>,
    %ne3A_317 = arith.constant 0 : i32
    %ne3A_318 = vector.broadcast %ne3A_317 : i32 to vector<16xi32>
    %ne3A_319 = arith.cmpi ne, %get3A_316, %ne3A_318 : vector<16xi32>
    %jit3A_320 = arith.constant 32000 : i32
    %broadcast_in_dim3A_321 = vector.broadcast %jit3A_320 : i32 to vector<16xi32>
    %select_n3A_322 = arith.select %ne3A_319, %broadcast_in_dim3A_321, %get3A_314 : vector<16xi1>, vector<16xi32>
    %swap3A_323 = arith.constant 224 : index
    %swap3A_324 = tpu.vector_load %arg12[%swap3A_323] {strides = array<i32>} : memref<1024xi32, #tpu.memory_space<vmem>>, vector<16xi32>,
    tpu.vector_store %arg12[%swap3A_323], %select_n3A_322 {strides = array<i32>} : memref<1024xi32, #tpu.memory_space<vmem>>, vector<16xi32>,
    %jit3A_325 = arith.constant -100 : i32
    %broadcast_in_dim3A_326 = vector.broadcast %jit3A_325 : i32 to vector<16xi32>
    %select_n3A_327 = arith.select %ne3A_319, %get3A_314, %broadcast_in_dim3A_326 : vector<16xi1>, vector<16xi32>
    %swap3A_328 = arith.constant 224 : index
    %swap3A_329 = tpu.vector_load %arg13[%swap3A_328] {strides = array<i32>} : memref<1024xi32, #tpu.memory_space<vmem>>, vector<16xi32>,
    tpu.vector_store %arg13[%swap3A_328], %select_n3A_327 {strides = array<i32>} : memref<1024xi32, #tpu.memory_space<vmem>>, vector<16xi32>,
    %get3A_330 = arith.constant 240 : index
    %get3A_331 = tpu.vector_load %arg11[%get3A_330] {strides = array<i32>} : memref<1024xi32, #tpu.memory_space<vmem>>, vector<16xi32>,
    %get3A_332 = arith.constant 240 : index
    %get3A_333 = tpu.vector_load %arg10[%get3A_332] {strides = array<i32>} : memref<1024xi32, #tpu.memory_space<vmem>>, vector<16xi32>,
    %ne3A_334 = arith.constant 0 : i32
    %ne3A_335 = vector.broadcast %ne3A_334 : i32 to vector<16xi32>
    %ne3A_336 = arith.cmpi ne, %get3A_333, %ne3A_335 : vector<16xi32>
    %jit3A_337 = arith.constant 32000 : i32
    %broadcast_in_dim3A_338 = vector.broadcast %jit3A_337 : i32 to vector<16xi32>
    %select_n3A_339 = arith.select %ne3A_336, %broadcast_in_dim3A_338, %get3A_331 : vector<16xi1>, vector<16xi32>
    %swap3A_340 = arith.constant 240 : index
    %swap3A_341 = tpu.vector_load %arg12[%swap3A_340] {strides = array<i32>} : memref<1024xi32, #tpu.memory_space<vmem>>, vector<16xi32>,
    tpu.vector_store %arg12[%swap3A_340], %select_n3A_339 {strides = array<i32>} : memref<1024xi32, #tpu.memory_space<vmem>>, vector<16xi32>,
    %jit3A_342 = arith.constant -100 : i32
    %broadcast_in_dim3A_343 = vector.broadcast %jit3A_342 : i32 to vector<16xi32>
    %select_n3A_344 = arith.select %ne3A_336, %get3A_331, %broadcast_in_dim3A_343 : vector<16xi1>, vector<16xi32>
    %swap3A_345 = arith.constant 240 : index
    %swap3A_346 = tpu.vector_load %arg13[%swap3A_345] {strides = array<i32>} : memref<1024xi32, #tpu.memory_space<vmem>>, vector<16xi32>,
    tpu.vector_store %arg13[%swap3A_345], %select_n3A_344 {strides = array<i32>} : memref<1024xi32, #tpu.memory_space<vmem>>, vector<16xi32>,
    %get3A_347 = arith.constant 256 : index
    %get3A_348 = tpu.vector_load %arg11[%get3A_347] {strides = array<i32>} : memref<1024xi32, #tpu.memory_space<vmem>>, vector<16xi32>,
    %get3A_349 = arith.constant 256 : index
    %get3A_350 = tpu.vector_load %arg10[%get3A_349] {strides = array<i32>} : memref<1024xi32, #tpu.memory_space<vmem>>, vector<16xi32>,
    %ne3A_351 = arith.constant 0 : i32
    %ne3A_352 = vector.broadcast %ne3A_351 : i32 to vector<16xi32>
    %ne3A_353 = arith.cmpi ne, %get3A_350, %ne3A_352 : vector<16xi32>
    %jit3A_354 = arith.constant 32000 : i32
    %broadcast_in_dim3A_355 = vector.broadcast %jit3A_354 : i32 to vector<16xi32>
    %select_n3A_356 = arith.select %ne3A_353, %broadcast_in_dim3A_355, %get3A_348 : vector<16xi1>, vector<16xi32>
    %swap3A_357 = arith.constant 256 : index
    %swap3A_358 = tpu.vector_load %arg12[%swap3A_357] {strides = array<i32>} : memref<1024xi32, #tpu.memory_space<vmem>>, vector<16xi32>,
    tpu.vector_store %arg12[%swap3A_357], %select_n3A_356 {strides = array<i32>} : memref<1024xi32, #tpu.memory_space<vmem>>, vector<16xi32>,
    %jit3A_359 = arith.constant -100 : i32
    %broadcast_in_dim3A_360 = vector.broadcast %jit3A_359 : i32 to vector<16xi32>
    %select_n3A_361 = arith.select %ne3A_353, %get3A_348, %broadcast_in_dim3A_360 : vector<16xi1>, vector<16xi32>
    %swap3A_362 = arith.constant 256 : index
    %swap3A_363 = tpu.vector_load %arg13[%swap3A_362] {strides = array<i32>} : memref<1024xi32, #tpu.memory_space<vmem>>, vector<16xi32>,
    tpu.vector_store %arg13[%swap3A_362], %select_n3A_361 {strides = array<i32>} : memref<1024xi32, #tpu.memory_space<vmem>>, vector<16xi32>,
    %get3A_364 = arith.constant 272 : index
    %get3A_365 = tpu.vector_load %arg11[%get3A_364] {strides = array<i32>} : memref<1024xi32, #tpu.memory_space<vmem>>, vector<16xi32>,
    %get3A_366 = arith.constant 272 : index
    %get3A_367 = tpu.vector_load %arg10[%get3A_366] {strides = array<i32>} : memref<1024xi32, #tpu.memory_space<vmem>>, vector<16xi32>,
    %ne3A_368 = arith.constant 0 : i32
    %ne3A_369 = vector.broadcast %ne3A_368 : i32 to vector<16xi32>
    %ne3A_370 = arith.cmpi ne, %get3A_367, %ne3A_369 : vector<16xi32>
    %jit3A_371 = arith.constant 32000 : i32
    %broadcast_in_dim3A_372 = vector.broadcast %jit3A_371 : i32 to vector<16xi32>
    %select_n3A_373 = arith.select %ne3A_370, %broadcast_in_dim3A_372, %get3A_365 : vector<16xi1>, vector<16xi32>
    %swap3A_374 = arith.constant 272 : index
    %swap3A_375 = tpu.vector_load %arg12[%swap3A_374] {strides = array<i32>} : memref<1024xi32, #tpu.memory_space<vmem>>, vector<16xi32>,
    tpu.vector_store %arg12[%swap3A_374], %select_n3A_373 {strides = array<i32>} : memref<1024xi32, #tpu.memory_space<vmem>>, vector<16xi32>,
    %jit3A_376 = arith.constant -100 : i32
    %broadcast_in_dim3A_377 = vector.broadcast %jit3A_376 : i32 to vector<16xi32>
    %select_n3A_378 = arith.select %ne3A_370, %get3A_365, %broadcast_in_dim3A_377 : vector<16xi1>, vector<16xi32>
    %swap3A_379 = arith.constant 272 : index
    %swap3A_380 = tpu.vector_load %arg13[%swap3A_379] {strides = array<i32>} : memref<1024xi32, #tpu.memory_space<vmem>>, vector<16xi32>,
    tpu.vector_store %arg13[%swap3A_379], %select_n3A_378 {strides = array<i32>} : memref<1024xi32, #tpu.memory_space<vmem>>, vector<16xi32>,
    %get3A_381 = arith.constant 288 : index
    %get3A_382 = tpu.vector_load %arg11[%get3A_381] {strides = array<i32>} : memref<1024xi32, #tpu.memory_space<vmem>>, vector<16xi32>,
    %get3A_383 = arith.constant 288 : index
    %get3A_384 = tpu.vector_load %arg10[%get3A_383] {strides = array<i32>} : memref<1024xi32, #tpu.memory_space<vmem>>, vector<16xi32>,
    %ne3A_385 = arith.constant 0 : i32
    %ne3A_386 = vector.broadcast %ne3A_385 : i32 to vector<16xi32>
    %ne3A_387 = arith.cmpi ne, %get3A_384, %ne3A_386 : vector<16xi32>
    %jit3A_388 = arith.constant 32000 : i32
    %broadcast_in_dim3A_389 = vector.broadcast %jit3A_388 : i32 to vector<16xi32>
    %select_n3A_390 = arith.select %ne3A_387, %broadcast_in_dim3A_389, %get3A_382 : vector<16xi1>, vector<16xi32>
    %swap3A_391 = arith.constant 288 : index
    %swap3A_392 = tpu.vector_load %arg12[%swap3A_391] {strides = array<i32>} : memref<1024xi32, #tpu.memory_space<vmem>>, vector<16xi32>,
    tpu.vector_store %arg12[%swap3A_391], %select_n3A_390 {strides = array<i32>} : memref<1024xi32, #tpu.memory_space<vmem>>, vector<16xi32>,
    %jit3A_393 = arith.constant -100 : i32
    %broadcast_in_dim3A_394 = vector.broadcast %jit3A_393 : i32 to vector<16xi32>
    %select_n3A_395 = arith.select %ne3A_387, %get3A_382, %broadcast_in_dim3A_394 : vector<16xi1>, vector<16xi32>
    %swap3A_396 = arith.constant 288 : index
    %swap3A_397 = tpu.vector_load %arg13[%swap3A_396] {strides = array<i32>} : memref<1024xi32, #tpu.memory_space<vmem>>, vector<16xi32>,
    tpu.vector_store %arg13[%swap3A_396], %select_n3A_395 {strides = array<i32>} : memref<1024xi32, #tpu.memory_space<vmem>>, vector<16xi32>,
    %get3A_398 = arith.constant 304 : index
    %get3A_399 = tpu.vector_load %arg11[%get3A_398] {strides = array<i32>} : memref<1024xi32, #tpu.memory_space<vmem>>, vector<16xi32>,
    %get3A_400 = arith.constant 304 : index
    %get3A_401 = tpu.vector_load %arg10[%get3A_400] {strides = array<i32>} : memref<1024xi32, #tpu.memory_space<vmem>>, vector<16xi32>,
    %ne3A_402 = arith.constant 0 : i32
    %ne3A_403 = vector.broadcast %ne3A_402 : i32 to vector<16xi32>
    %ne3A_404 = arith.cmpi ne, %get3A_401, %ne3A_403 : vector<16xi32>
    %jit3A_405 = arith.constant 32000 : i32
    %broadcast_in_dim3A_406 = vector.broadcast %jit3A_405 : i32 to vector<16xi32>
    %select_n3A_407 = arith.select %ne3A_404, %broadcast_in_dim3A_406, %get3A_399 : vector<16xi1>, vector<16xi32>
    %swap3A_408 = arith.constant 304 : index
    %swap3A_409 = tpu.vector_load %arg12[%swap3A_408] {strides = array<i32>} : memref<1024xi32, #tpu.memory_space<vmem>>, vector<16xi32>,
    tpu.vector_store %arg12[%swap3A_408], %select_n3A_407 {strides = array<i32>} : memref<1024xi32, #tpu.memory_space<vmem>>, vector<16xi32>,
    %jit3A_410 = arith.constant -100 : i32
    %broadcast_in_dim3A_411 = vector.broadcast %jit3A_410 : i32 to vector<16xi32>
    %select_n3A_412 = arith.select %ne3A_404, %get3A_399, %broadcast_in_dim3A_411 : vector<16xi1>, vector<16xi32>
    %swap3A_413 = arith.constant 304 : index
    %swap3A_414 = tpu.vector_load %arg13[%swap3A_413] {strides = array<i32>} : memref<1024xi32, #tpu.memory_space<vmem>>, vector<16xi32>,
    tpu.vector_store %arg13[%swap3A_413], %select_n3A_412 {strides = array<i32>} : memref<1024xi32, #tpu.memory_space<vmem>>, vector<16xi32>,
    %get3A_415 = arith.constant 320 : index
    %get3A_416 = tpu.vector_load %arg11[%get3A_415] {strides = array<i32>} : memref<1024xi32, #tpu.memory_space<vmem>>, vector<16xi32>,
    %get3A_417 = arith.constant 320 : index
    %get3A_418 = tpu.vector_load %arg10[%get3A_417] {strides = array<i32>} : memref<1024xi32, #tpu.memory_space<vmem>>, vector<16xi32>,
    %ne3A_419 = arith.constant 0 : i32
    %ne3A_420 = vector.broadcast %ne3A_419 : i32 to vector<16xi32>
    %ne3A_421 = arith.cmpi ne, %get3A_418, %ne3A_420 : vector<16xi32>
    %jit3A_422 = arith.constant 32000 : i32
    %broadcast_in_dim3A_423 = vector.broadcast %jit3A_422 : i32 to vector<16xi32>
    %select_n3A_424 = arith.select %ne3A_421, %broadcast_in_dim3A_423, %get3A_416 : vector<16xi1>, vector<16xi32>
    %swap3A_425 = arith.constant 320 : index
    %swap3A_426 = tpu.vector_load %arg12[%swap3A_425] {strides = array<i32>} : memref<1024xi32, #tpu.memory_space<vmem>>, vector<16xi32>,
    tpu.vector_store %arg12[%swap3A_425], %select_n3A_424 {strides = array<i32>} : memref<1024xi32, #tpu.memory_space<vmem>>, vector<16xi32>,
    %jit3A_427 = arith.constant -100 : i32
    %broadcast_in_dim3A_428 = vector.broadcast %jit3A_427 : i32 to vector<16xi32>
    %select_n3A_429 = arith.select %ne3A_421, %get3A_416, %broadcast_in_dim3A_428 : vector<16xi1>, vector<16xi32>
    %swap3A_430 = arith.constant 320 : index
    %swap3A_431 = tpu.vector_load %arg13[%swap3A_430] {strides = array<i32>} : memref<1024xi32, #tpu.memory_space<vmem>>, vector<16xi32>,
    tpu.vector_store %arg13[%swap3A_430], %select_n3A_429 {strides = array<i32>} : memref<1024xi32, #tpu.memory_space<vmem>>, vector<16xi32>,
    %get3A_432 = arith.constant 336 : index
    %get3A_433 = tpu.vector_load %arg11[%get3A_432] {strides = array<i32>} : memref<1024xi32, #tpu.memory_space<vmem>>, vector<16xi32>,
    %get3A_434 = arith.constant 336 : index
    %get3A_435 = tpu.vector_load %arg10[%get3A_434] {strides = array<i32>} : memref<1024xi32, #tpu.memory_space<vmem>>, vector<16xi32>,
    %ne3A_436 = arith.constant 0 : i32
    %ne3A_437 = vector.broadcast %ne3A_436 : i32 to vector<16xi32>
    %ne3A_438 = arith.cmpi ne, %get3A_435, %ne3A_437 : vector<16xi32>
    %jit3A_439 = arith.constant 32000 : i32
    %broadcast_in_dim3A_440 = vector.broadcast %jit3A_439 : i32 to vector<16xi32>
    %select_n3A_441 = arith.select %ne3A_438, %broadcast_in_dim3A_440, %get3A_433 : vector<16xi1>, vector<16xi32>
    %swap3A_442 = arith.constant 336 : index
    %swap3A_443 = tpu.vector_load %arg12[%swap3A_442] {strides = array<i32>} : memref<1024xi32, #tpu.memory_space<vmem>>, vector<16xi32>,
    tpu.vector_store %arg12[%swap3A_442], %select_n3A_441 {strides = array<i32>} : memref<1024xi32, #tpu.memory_space<vmem>>, vector<16xi32>,
    %jit3A_444 = arith.constant -100 : i32
    %broadcast_in_dim3A_445 = vector.broadcast %jit3A_444 : i32 to vector<16xi32>
    %select_n3A_446 = arith.select %ne3A_438, %get3A_433, %broadcast_in_dim3A_445 : vector<16xi1>, vector<16xi32>
    %swap3A_447 = arith.constant 336 : index
    %swap3A_448 = tpu.vector_load %arg13[%swap3A_447] {strides = array<i32>} : memref<1024xi32, #tpu.memory_space<vmem>>, vector<16xi32>,
    tpu.vector_store %arg13[%swap3A_447], %select_n3A_446 {strides = array<i32>} : memref<1024xi32, #tpu.memory_space<vmem>>, vector<16xi32>,
    %get3A_449 = arith.constant 352 : index
    %get3A_450 = tpu.vector_load %arg11[%get3A_449] {strides = array<i32>} : memref<1024xi32, #tpu.memory_space<vmem>>, vector<16xi32>,
    %get3A_451 = arith.constant 352 : index
    %get3A_452 = tpu.vector_load %arg10[%get3A_451] {strides = array<i32>} : memref<1024xi32, #tpu.memory_space<vmem>>, vector<16xi32>,
    %ne3A_453 = arith.constant 0 : i32
    %ne3A_454 = vector.broadcast %ne3A_453 : i32 to vector<16xi32>
    %ne3A_455 = arith.cmpi ne, %get3A_452, %ne3A_454 : vector<16xi32>
    %jit3A_456 = arith.constant 32000 : i32
    %broadcast_in_dim3A_457 = vector.broadcast %jit3A_456 : i32 to vector<16xi32>
    %select_n3A_458 = arith.select %ne3A_455, %broadcast_in_dim3A_457, %get3A_450 : vector<16xi1>, vector<16xi32>
    %swap3A_459 = arith.constant 352 : index
    %swap3A_460 = tpu.vector_load %arg12[%swap3A_459] {strides = array<i32>} : memref<1024xi32, #tpu.memory_space<vmem>>, vector<16xi32>,
    tpu.vector_store %arg12[%swap3A_459], %select_n3A_458 {strides = array<i32>} : memref<1024xi32, #tpu.memory_space<vmem>>, vector<16xi32>,
    %jit3A_461 = arith.constant -100 : i32
    %broadcast_in_dim3A_462 = vector.broadcast %jit3A_461 : i32 to vector<16xi32>
    %select_n3A_463 = arith.select %ne3A_455, %get3A_450, %broadcast_in_dim3A_462 : vector<16xi1>, vector<16xi32>
    %swap3A_464 = arith.constant 352 : index
    %swap3A_465 = tpu.vector_load %arg13[%swap3A_464] {strides = array<i32>} : memref<1024xi32, #tpu.memory_space<vmem>>, vector<16xi32>,
    tpu.vector_store %arg13[%swap3A_464], %select_n3A_463 {strides = array<i32>} : memref<1024xi32, #tpu.memory_space<vmem>>, vector<16xi32>,
    %get3A_466 = arith.constant 368 : index
    %get3A_467 = tpu.vector_load %arg11[%get3A_466] {strides = array<i32>} : memref<1024xi32, #tpu.memory_space<vmem>>, vector<16xi32>,
    %get3A_468 = arith.constant 368 : index
    %get3A_469 = tpu.vector_load %arg10[%get3A_468] {strides = array<i32>} : memref<1024xi32, #tpu.memory_space<vmem>>, vector<16xi32>,
    %ne3A_470 = arith.constant 0 : i32
    %ne3A_471 = vector.broadcast %ne3A_470 : i32 to vector<16xi32>
    %ne3A_472 = arith.cmpi ne, %get3A_469, %ne3A_471 : vector<16xi32>
    %jit3A_473 = arith.constant 32000 : i32
    %broadcast_in_dim3A_474 = vector.broadcast %jit3A_473 : i32 to vector<16xi32>
    %select_n3A_475 = arith.select %ne3A_472, %broadcast_in_dim3A_474, %get3A_467 : vector<16xi1>, vector<16xi32>
    %swap3A_476 = arith.constant 368 : index
    %swap3A_477 = tpu.vector_load %arg12[%swap3A_476] {strides = array<i32>} : memref<1024xi32, #tpu.memory_space<vmem>>, vector<16xi32>,
    tpu.vector_store %arg12[%swap3A_476], %select_n3A_475 {strides = array<i32>} : memref<1024xi32, #tpu.memory_space<vmem>>, vector<16xi32>,
    %jit3A_478 = arith.constant -100 : i32
    %broadcast_in_dim3A_479 = vector.broadcast %jit3A_478 : i32 to vector<16xi32>
    %select_n3A_480 = arith.select %ne3A_472, %get3A_467, %broadcast_in_dim3A_479 : vector<16xi1>, vector<16xi32>
    %swap3A_481 = arith.constant 368 : index
    %swap3A_482 = tpu.vector_load %arg13[%swap3A_481] {strides = array<i32>} : memref<1024xi32, #tpu.memory_space<vmem>>, vector<16xi32>,
    tpu.vector_store %arg13[%swap3A_481], %select_n3A_480 {strides = array<i32>} : memref<1024xi32, #tpu.memory_space<vmem>>, vector<16xi32>,
    %get3A_483 = arith.constant 384 : index
    %get3A_484 = tpu.vector_load %arg11[%get3A_483] {strides = array<i32>} : memref<1024xi32, #tpu.memory_space<vmem>>, vector<16xi32>,
    %get3A_485 = arith.constant 384 : index
    %get3A_486 = tpu.vector_load %arg10[%get3A_485] {strides = array<i32>} : memref<1024xi32, #tpu.memory_space<vmem>>, vector<16xi32>,
    %ne3A_487 = arith.constant 0 : i32
    %ne3A_488 = vector.broadcast %ne3A_487 : i32 to vector<16xi32>
    %ne3A_489 = arith.cmpi ne, %get3A_486, %ne3A_488 : vector<16xi32>
    %jit3A_490 = arith.constant 32000 : i32
    %broadcast_in_dim3A_491 = vector.broadcast %jit3A_490 : i32 to vector<16xi32>
    %select_n3A_492 = arith.select %ne3A_489, %broadcast_in_dim3A_491, %get3A_484 : vector<16xi1>, vector<16xi32>
    %swap3A_493 = arith.constant 384 : index
    %swap3A_494 = tpu.vector_load %arg12[%swap3A_493] {strides = array<i32>} : memref<1024xi32, #tpu.memory_space<vmem>>, vector<16xi32>,
    tpu.vector_store %arg12[%swap3A_493], %select_n3A_492 {strides = array<i32>} : memref<1024xi32, #tpu.memory_space<vmem>>, vector<16xi32>,
    %jit3A_495 = arith.constant -100 : i32
    %broadcast_in_dim3A_496 = vector.broadcast %jit3A_495 : i32 to vector<16xi32>
    %select_n3A_497 = arith.select %ne3A_489, %get3A_484, %broadcast_in_dim3A_496 : vector<16xi1>, vector<16xi32>
    %swap3A_498 = arith.constant 384 : index
    %swap3A_499 = tpu.vector_load %arg13[%swap3A_498] {strides = array<i32>} : memref<1024xi32, #tpu.memory_space<vmem>>, vector<16xi32>,
    tpu.vector_store %arg13[%swap3A_498], %select_n3A_497 {strides = array<i32>} : memref<1024xi32, #tpu.memory_space<vmem>>, vector<16xi32>,
    %get3A_500 = arith.constant 400 : index
    %get3A_501 = tpu.vector_load %arg11[%get3A_500] {strides = array<i32>} : memref<1024xi32, #tpu.memory_space<vmem>>, vector<16xi32>,
    %get3A_502 = arith.constant 400 : index
    %get3A_503 = tpu.vector_load %arg10[%get3A_502] {strides = array<i32>} : memref<1024xi32, #tpu.memory_space<vmem>>, vector<16xi32>,
    %ne3A_504 = arith.constant 0 : i32
    %ne3A_505 = vector.broadcast %ne3A_504 : i32 to vector<16xi32>
    %ne3A_506 = arith.cmpi ne, %get3A_503, %ne3A_505 : vector<16xi32>
    %jit3A_507 = arith.constant 32000 : i32
    %broadcast_in_dim3A_508 = vector.broadcast %jit3A_507 : i32 to vector<16xi32>
    %select_n3A_509 = arith.select %ne3A_506, %broadcast_in_dim3A_508, %get3A_501 : vector<16xi1>, vector<16xi32>
    %swap3A_510 = arith.constant 400 : index
    %swap3A_511 = tpu.vector_load %arg12[%swap3A_510] {strides = array<i32>} : memref<1024xi32, #tpu.memory_space<vmem>>, vector<16xi32>,
    tpu.vector_store %arg12[%swap3A_510], %select_n3A_509 {strides = array<i32>} : memref<1024xi32, #tpu.memory_space<vmem>>, vector<16xi32>,
    %jit3A_512 = arith.constant -100 : i32
    %broadcast_in_dim3A_513 = vector.broadcast %jit3A_512 : i32 to vector<16xi32>
    %select_n3A_514 = arith.select %ne3A_506, %get3A_501, %broadcast_in_dim3A_513 : vector<16xi1>, vector<16xi32>
    %swap3A_515 = arith.constant 400 : index
    %swap3A_516 = tpu.vector_load %arg13[%swap3A_515] {strides = array<i32>} : memref<1024xi32, #tpu.memory_space<vmem>>, vector<16xi32>,
    tpu.vector_store %arg13[%swap3A_515], %select_n3A_514 {strides = array<i32>} : memref<1024xi32, #tpu.memory_space<vmem>>, vector<16xi32>,
    %get3A_517 = arith.constant 416 : index
    %get3A_518 = tpu.vector_load %arg11[%get3A_517] {strides = array<i32>} : memref<1024xi32, #tpu.memory_space<vmem>>, vector<16xi32>,
    %get3A_519 = arith.constant 416 : index
    %get3A_520 = tpu.vector_load %arg10[%get3A_519] {strides = array<i32>} : memref<1024xi32, #tpu.memory_space<vmem>>, vector<16xi32>,
    %ne3A_521 = arith.constant 0 : i32
    %ne3A_522 = vector.broadcast %ne3A_521 : i32 to vector<16xi32>
    %ne3A_523 = arith.cmpi ne, %get3A_520, %ne3A_522 : vector<16xi32>
    %jit3A_524 = arith.constant 32000 : i32
    %broadcast_in_dim3A_525 = vector.broadcast %jit3A_524 : i32 to vector<16xi32>
    %select_n3A_526 = arith.select %ne3A_523, %broadcast_in_dim3A_525, %get3A_518 : vector<16xi1>, vector<16xi32>
    %swap3A_527 = arith.constant 416 : index
    %swap3A_528 = tpu.vector_load %arg12[%swap3A_527] {strides = array<i32>} : memref<1024xi32, #tpu.memory_space<vmem>>, vector<16xi32>,
    tpu.vector_store %arg12[%swap3A_527], %select_n3A_526 {strides = array<i32>} : memref<1024xi32, #tpu.memory_space<vmem>>, vector<16xi32>,
    %jit3A_529 = arith.constant -100 : i32
    %broadcast_in_dim3A_530 = vector.broadcast %jit3A_529 : i32 to vector<16xi32>
    %select_n3A_531 = arith.select %ne3A_523, %get3A_518, %broadcast_in_dim3A_530 : vector<16xi1>, vector<16xi32>
    %swap3A_532 = arith.constant 416 : index
    %swap3A_533 = tpu.vector_load %arg13[%swap3A_532] {strides = array<i32>} : memref<1024xi32, #tpu.memory_space<vmem>>, vector<16xi32>,
    tpu.vector_store %arg13[%swap3A_532], %select_n3A_531 {strides = array<i32>} : memref<1024xi32, #tpu.memory_space<vmem>>, vector<16xi32>,
    %get3A_534 = arith.constant 432 : index
    %get3A_535 = tpu.vector_load %arg11[%get3A_534] {strides = array<i32>} : memref<1024xi32, #tpu.memory_space<vmem>>, vector<16xi32>,
    %get3A_536 = arith.constant 432 : index
    %get3A_537 = tpu.vector_load %arg10[%get3A_536] {strides = array<i32>} : memref<1024xi32, #tpu.memory_space<vmem>>, vector<16xi32>,
    %ne3A_538 = arith.constant 0 : i32
    %ne3A_539 = vector.broadcast %ne3A_538 : i32 to vector<16xi32>
    %ne3A_540 = arith.cmpi ne, %get3A_537, %ne3A_539 : vector<16xi32>
    %jit3A_541 = arith.constant 32000 : i32
    %broadcast_in_dim3A_542 = vector.broadcast %jit3A_541 : i32 to vector<16xi32>
    %select_n3A_543 = arith.select %ne3A_540, %broadcast_in_dim3A_542, %get3A_535 : vector<16xi1>, vector<16xi32>
    %swap3A_544 = arith.constant 432 : index
    %swap3A_545 = tpu.vector_load %arg12[%swap3A_544] {strides = array<i32>} : memref<1024xi32, #tpu.memory_space<vmem>>, vector<16xi32>,
    tpu.vector_store %arg12[%swap3A_544], %select_n3A_543 {strides = array<i32>} : memref<1024xi32, #tpu.memory_space<vmem>>, vector<16xi32>,
    %jit3A_546 = arith.constant -100 : i32
    %broadcast_in_dim3A_547 = vector.broadcast %jit3A_546 : i32 to vector<16xi32>
    %select_n3A_548 = arith.select %ne3A_540, %get3A_535, %broadcast_in_dim3A_547 : vector<16xi1>, vector<16xi32>
    %swap3A_549 = arith.constant 432 : index
    %swap3A_550 = tpu.vector_load %arg13[%swap3A_549] {strides = array<i32>} : memref<1024xi32, #tpu.memory_space<vmem>>, vector<16xi32>,
    tpu.vector_store %arg13[%swap3A_549], %select_n3A_548 {strides = array<i32>} : memref<1024xi32, #tpu.memory_space<vmem>>, vector<16xi32>,
    %get3A_551 = arith.constant 448 : index
    %get3A_552 = tpu.vector_load %arg11[%get3A_551] {strides = array<i32>} : memref<1024xi32, #tpu.memory_space<vmem>>, vector<16xi32>,
    %get3A_553 = arith.constant 448 : index
    %get3A_554 = tpu.vector_load %arg10[%get3A_553] {strides = array<i32>} : memref<1024xi32, #tpu.memory_space<vmem>>, vector<16xi32>,
    %ne3A_555 = arith.constant 0 : i32
    %ne3A_556 = vector.broadcast %ne3A_555 : i32 to vector<16xi32>
    %ne3A_557 = arith.cmpi ne, %get3A_554, %ne3A_556 : vector<16xi32>
    %jit3A_558 = arith.constant 32000 : i32
    %broadcast_in_dim3A_559 = vector.broadcast %jit3A_558 : i32 to vector<16xi32>
    %select_n3A_560 = arith.select %ne3A_557, %broadcast_in_dim3A_559, %get3A_552 : vector<16xi1>, vector<16xi32>
    %swap3A_561 = arith.constant 448 : index
    %swap3A_562 = tpu.vector_load %arg12[%swap3A_561] {strides = array<i32>} : memref<1024xi32, #tpu.memory_space<vmem>>, vector<16xi32>,
    tpu.vector_store %arg12[%swap3A_561], %select_n3A_560 {strides = array<i32>} : memref<1024xi32, #tpu.memory_space<vmem>>, vector<16xi32>,
    %jit3A_563 = arith.constant -100 : i32
    %broadcast_in_dim3A_564 = vector.broadcast %jit3A_563 : i32 to vector<16xi32>
    %select_n3A_565 = arith.select %ne3A_557, %get3A_552, %broadcast_in_dim3A_564 : vector<16xi1>, vector<16xi32>
    %swap3A_566 = arith.constant 448 : index
    %swap3A_567 = tpu.vector_load %arg13[%swap3A_566] {strides = array<i32>} : memref<1024xi32, #tpu.memory_space<vmem>>, vector<16xi32>,
    tpu.vector_store %arg13[%swap3A_566], %select_n3A_565 {strides = array<i32>} : memref<1024xi32, #tpu.memory_space<vmem>>, vector<16xi32>,
    %get3A_568 = arith.constant 464 : index
    %get3A_569 = tpu.vector_load %arg11[%get3A_568] {strides = array<i32>} : memref<1024xi32, #tpu.memory_space<vmem>>, vector<16xi32>,
    %get3A_570 = arith.constant 464 : index
    %get3A_571 = tpu.vector_load %arg10[%get3A_570] {strides = array<i32>} : memref<1024xi32, #tpu.memory_space<vmem>>, vector<16xi32>,
    %ne3A_572 = arith.constant 0 : i32
    %ne3A_573 = vector.broadcast %ne3A_572 : i32 to vector<16xi32>
    %ne3A_574 = arith.cmpi ne, %get3A_571, %ne3A_573 : vector<16xi32>
    %jit3A_575 = arith.constant 32000 : i32
    %broadcast_in_dim3A_576 = vector.broadcast %jit3A_575 : i32 to vector<16xi32>
    %select_n3A_577 = arith.select %ne3A_574, %broadcast_in_dim3A_576, %get3A_569 : vector<16xi1>, vector<16xi32>
    %swap3A_578 = arith.constant 464 : index
    %swap3A_579 = tpu.vector_load %arg12[%swap3A_578] {strides = array<i32>} : memref<1024xi32, #tpu.memory_space<vmem>>, vector<16xi32>,
    tpu.vector_store %arg12[%swap3A_578], %select_n3A_577 {strides = array<i32>} : memref<1024xi32, #tpu.memory_space<vmem>>, vector<16xi32>,
    %jit3A_580 = arith.constant -100 : i32
    %broadcast_in_dim3A_581 = vector.broadcast %jit3A_580 : i32 to vector<16xi32>
    %select_n3A_582 = arith.select %ne3A_574, %get3A_569, %broadcast_in_dim3A_581 : vector<16xi1>, vector<16xi32>
    %swap3A_583 = arith.constant 464 : index
    %swap3A_584 = tpu.vector_load %arg13[%swap3A_583] {strides = array<i32>} : memref<1024xi32, #tpu.memory_space<vmem>>, vector<16xi32>,
    tpu.vector_store %arg13[%swap3A_583], %select_n3A_582 {strides = array<i32>} : memref<1024xi32, #tpu.memory_space<vmem>>, vector<16xi32>,
    %get3A_585 = arith.constant 480 : index
    %get3A_586 = tpu.vector_load %arg11[%get3A_585] {strides = array<i32>} : memref<1024xi32, #tpu.memory_space<vmem>>, vector<16xi32>,
    %get3A_587 = arith.constant 480 : index
    %get3A_588 = tpu.vector_load %arg10[%get3A_587] {strides = array<i32>} : memref<1024xi32, #tpu.memory_space<vmem>>, vector<16xi32>,
    %ne3A_589 = arith.constant 0 : i32
    %ne3A_590 = vector.broadcast %ne3A_589 : i32 to vector<16xi32>
    %ne3A_591 = arith.cmpi ne, %get3A_588, %ne3A_590 : vector<16xi32>
    %jit3A_592 = arith.constant 32000 : i32
    %broadcast_in_dim3A_593 = vector.broadcast %jit3A_592 : i32 to vector<16xi32>
    %select_n3A_594 = arith.select %ne3A_591, %broadcast_in_dim3A_593, %get3A_586 : vector<16xi1>, vector<16xi32>
    %swap3A_595 = arith.constant 480 : index
    %swap3A_596 = tpu.vector_load %arg12[%swap3A_595] {strides = array<i32>} : memref<1024xi32, #tpu.memory_space<vmem>>, vector<16xi32>,
    tpu.vector_store %arg12[%swap3A_595], %select_n3A_594 {strides = array<i32>} : memref<1024xi32, #tpu.memory_space<vmem>>, vector<16xi32>,
    %jit3A_597 = arith.constant -100 : i32
    %broadcast_in_dim3A_598 = vector.broadcast %jit3A_597 : i32 to vector<16xi32>
    %select_n3A_599 = arith.select %ne3A_591, %get3A_586, %broadcast_in_dim3A_598 : vector<16xi1>, vector<16xi32>
    %swap3A_600 = arith.constant 480 : index
    %swap3A_601 = tpu.vector_load %arg13[%swap3A_600] {strides = array<i32>} : memref<1024xi32, #tpu.memory_space<vmem>>, vector<16xi32>,
    tpu.vector_store %arg13[%swap3A_600], %select_n3A_599 {strides = array<i32>} : memref<1024xi32, #tpu.memory_space<vmem>>, vector<16xi32>,
    %get3A_602 = arith.constant 496 : index
    %get3A_603 = tpu.vector_load %arg11[%get3A_602] {strides = array<i32>} : memref<1024xi32, #tpu.memory_space<vmem>>, vector<16xi32>,
    %get3A_604 = arith.constant 496 : index
    %get3A_605 = tpu.vector_load %arg10[%get3A_604] {strides = array<i32>} : memref<1024xi32, #tpu.memory_space<vmem>>, vector<16xi32>,
    %ne3A_606 = arith.constant 0 : i32
    %ne3A_607 = vector.broadcast %ne3A_606 : i32 to vector<16xi32>
    %ne3A_608 = arith.cmpi ne, %get3A_605, %ne3A_607 : vector<16xi32>
    %jit3A_609 = arith.constant 32000 : i32
    %broadcast_in_dim3A_610 = vector.broadcast %jit3A_609 : i32 to vector<16xi32>
    %select_n3A_611 = arith.select %ne3A_608, %broadcast_in_dim3A_610, %get3A_603 : vector<16xi1>, vector<16xi32>
    %swap3A_612 = arith.constant 496 : index
    %swap3A_613 = tpu.vector_load %arg12[%swap3A_612] {strides = array<i32>} : memref<1024xi32, #tpu.memory_space<vmem>>, vector<16xi32>,
    tpu.vector_store %arg12[%swap3A_612], %select_n3A_611 {strides = array<i32>} : memref<1024xi32, #tpu.memory_space<vmem>>, vector<16xi32>,
    %jit3A_614 = arith.constant -100 : i32
    %broadcast_in_dim3A_615 = vector.broadcast %jit3A_614 : i32 to vector<16xi32>
    %select_n3A_616 = arith.select %ne3A_608, %get3A_603, %broadcast_in_dim3A_615 : vector<16xi1>, vector<16xi32>
    %swap3A_617 = arith.constant 496 : index
    %swap3A_618 = tpu.vector_load %arg13[%swap3A_617] {strides = array<i32>} : memref<1024xi32, #tpu.memory_space<vmem>>, vector<16xi32>,
    tpu.vector_store %arg13[%swap3A_617], %select_n3A_616 {strides = array<i32>} : memref<1024xi32, #tpu.memory_space<vmem>>, vector<16xi32>,
    %get3A_619 = arith.constant 512 : index
    %get3A_620 = tpu.vector_load %arg11[%get3A_619] {strides = array<i32>} : memref<1024xi32, #tpu.memory_space<vmem>>, vector<16xi32>,
    %get3A_621 = arith.constant 512 : index
    %get3A_622 = tpu.vector_load %arg10[%get3A_621] {strides = array<i32>} : memref<1024xi32, #tpu.memory_space<vmem>>, vector<16xi32>,
    %ne3A_623 = arith.constant 0 : i32
    %ne3A_624 = vector.broadcast %ne3A_623 : i32 to vector<16xi32>
    %ne3A_625 = arith.cmpi ne, %get3A_622, %ne3A_624 : vector<16xi32>
    %jit3A_626 = arith.constant 32000 : i32
    %broadcast_in_dim3A_627 = vector.broadcast %jit3A_626 : i32 to vector<16xi32>
    %select_n3A_628 = arith.select %ne3A_625, %broadcast_in_dim3A_627, %get3A_620 : vector<16xi1>, vector<16xi32>
    %swap3A_629 = arith.constant 512 : index
    %swap3A_630 = tpu.vector_load %arg12[%swap3A_629] {strides = array<i32>} : memref<1024xi32, #tpu.memory_space<vmem>>, vector<16xi32>,
    tpu.vector_store %arg12[%swap3A_629], %select_n3A_628 {strides = array<i32>} : memref<1024xi32, #tpu.memory_space<vmem>>, vector<16xi32>,
    %jit3A_631 = arith.constant -100 : i32
    %broadcast_in_dim3A_632 = vector.broadcast %jit3A_631 : i32 to vector<16xi32>
    %select_n3A_633 = arith.select %ne3A_625, %get3A_620, %broadcast_in_dim3A_632 : vector<16xi1>, vector<16xi32>
    %swap3A_634 = arith.constant 512 : index
    %swap3A_635 = tpu.vector_load %arg13[%swap3A_634] {strides = array<i32>} : memref<1024xi32, #tpu.memory_space<vmem>>, vector<16xi32>,
    tpu.vector_store %arg13[%swap3A_634], %select_n3A_633 {strides = array<i32>} : memref<1024xi32, #tpu.memory_space<vmem>>, vector<16xi32>,
    %get3A_636 = arith.constant 528 : index
    %get3A_637 = tpu.vector_load %arg11[%get3A_636] {strides = array<i32>} : memref<1024xi32, #tpu.memory_space<vmem>>, vector<16xi32>,
    %get3A_638 = arith.constant 528 : index
    %get3A_639 = tpu.vector_load %arg10[%get3A_638] {strides = array<i32>} : memref<1024xi32, #tpu.memory_space<vmem>>, vector<16xi32>,
    %ne3A_640 = arith.constant 0 : i32
    %ne3A_641 = vector.broadcast %ne3A_640 : i32 to vector<16xi32>
    %ne3A_642 = arith.cmpi ne, %get3A_639, %ne3A_641 : vector<16xi32>
    %jit3A_643 = arith.constant 32000 : i32
    %broadcast_in_dim3A_644 = vector.broadcast %jit3A_643 : i32 to vector<16xi32>
    %select_n3A_645 = arith.select %ne3A_642, %broadcast_in_dim3A_644, %get3A_637 : vector<16xi1>, vector<16xi32>
    %swap3A_646 = arith.constant 528 : index
    %swap3A_647 = tpu.vector_load %arg12[%swap3A_646] {strides = array<i32>} : memref<1024xi32, #tpu.memory_space<vmem>>, vector<16xi32>,
    tpu.vector_store %arg12[%swap3A_646], %select_n3A_645 {strides = array<i32>} : memref<1024xi32, #tpu.memory_space<vmem>>, vector<16xi32>,
    %jit3A_648 = arith.constant -100 : i32
    %broadcast_in_dim3A_649 = vector.broadcast %jit3A_648 : i32 to vector<16xi32>
    %select_n3A_650 = arith.select %ne3A_642, %get3A_637, %broadcast_in_dim3A_649 : vector<16xi1>, vector<16xi32>
    %swap3A_651 = arith.constant 528 : index
    %swap3A_652 = tpu.vector_load %arg13[%swap3A_651] {strides = array<i32>} : memref<1024xi32, #tpu.memory_space<vmem>>, vector<16xi32>,
    tpu.vector_store %arg13[%swap3A_651], %select_n3A_650 {strides = array<i32>} : memref<1024xi32, #tpu.memory_space<vmem>>, vector<16xi32>,
    %get3A_653 = arith.constant 544 : index
    %get3A_654 = tpu.vector_load %arg11[%get3A_653] {strides = array<i32>} : memref<1024xi32, #tpu.memory_space<vmem>>, vector<16xi32>,
    %get3A_655 = arith.constant 544 : index
    %get3A_656 = tpu.vector_load %arg10[%get3A_655] {strides = array<i32>} : memref<1024xi32, #tpu.memory_space<vmem>>, vector<16xi32>,
    %ne3A_657 = arith.constant 0 : i32
    %ne3A_658 = vector.broadcast %ne3A_657 : i32 to vector<16xi32>
    %ne3A_659 = arith.cmpi ne, %get3A_656, %ne3A_658 : vector<16xi32>
    %jit3A_660 = arith.constant 32000 : i32
    %broadcast_in_dim3A_661 = vector.broadcast %jit3A_660 : i32 to vector<16xi32>
    %select_n3A_662 = arith.select %ne3A_659, %broadcast_in_dim3A_661, %get3A_654 : vector<16xi1>, vector<16xi32>
    %swap3A_663 = arith.constant 544 : index
    %swap3A_664 = tpu.vector_load %arg12[%swap3A_663] {strides = array<i32>} : memref<1024xi32, #tpu.memory_space<vmem>>, vector<16xi32>,
    tpu.vector_store %arg12[%swap3A_663], %select_n3A_662 {strides = array<i32>} : memref<1024xi32, #tpu.memory_space<vmem>>, vector<16xi32>,
    %jit3A_665 = arith.constant -100 : i32
    %broadcast_in_dim3A_666 = vector.broadcast %jit3A_665 : i32 to vector<16xi32>
    %select_n3A_667 = arith.select %ne3A_659, %get3A_654, %broadcast_in_dim3A_666 : vector<16xi1>, vector<16xi32>
    %swap3A_668 = arith.constant 544 : index
    %swap3A_669 = tpu.vector_load %arg13[%swap3A_668] {strides = array<i32>} : memref<1024xi32, #tpu.memory_space<vmem>>, vector<16xi32>,
    tpu.vector_store %arg13[%swap3A_668], %select_n3A_667 {strides = array<i32>} : memref<1024xi32, #tpu.memory_space<vmem>>, vector<16xi32>,
    %get3A_670 = arith.constant 560 : index
    %get3A_671 = tpu.vector_load %arg11[%get3A_670] {strides = array<i32>} : memref<1024xi32, #tpu.memory_space<vmem>>, vector<16xi32>,
    %get3A_672 = arith.constant 560 : index
    %get3A_673 = tpu.vector_load %arg10[%get3A_672] {strides = array<i32>} : memref<1024xi32, #tpu.memory_space<vmem>>, vector<16xi32>,
    %ne3A_674 = arith.constant 0 : i32
    %ne3A_675 = vector.broadcast %ne3A_674 : i32 to vector<16xi32>
    %ne3A_676 = arith.cmpi ne, %get3A_673, %ne3A_675 : vector<16xi32>
    %jit3A_677 = arith.constant 32000 : i32
    %broadcast_in_dim3A_678 = vector.broadcast %jit3A_677 : i32 to vector<16xi32>
    %select_n3A_679 = arith.select %ne3A_676, %broadcast_in_dim3A_678, %get3A_671 : vector<16xi1>, vector<16xi32>
    %swap3A_680 = arith.constant 560 : index
    %swap3A_681 = tpu.vector_load %arg12[%swap3A_680] {strides = array<i32>} : memref<1024xi32, #tpu.memory_space<vmem>>, vector<16xi32>,
    tpu.vector_store %arg12[%swap3A_680], %select_n3A_679 {strides = array<i32>} : memref<1024xi32, #tpu.memory_space<vmem>>, vector<16xi32>,
    %jit3A_682 = arith.constant -100 : i32
    %broadcast_in_dim3A_683 = vector.broadcast %jit3A_682 : i32 to vector<16xi32>
    %select_n3A_684 = arith.select %ne3A_676, %get3A_671, %broadcast_in_dim3A_683 : vector<16xi1>, vector<16xi32>
    %swap3A_685 = arith.constant 560 : index
    %swap3A_686 = tpu.vector_load %arg13[%swap3A_685] {strides = array<i32>} : memref<1024xi32, #tpu.memory_space<vmem>>, vector<16xi32>,
    tpu.vector_store %arg13[%swap3A_685], %select_n3A_684 {strides = array<i32>} : memref<1024xi32, #tpu.memory_space<vmem>>, vector<16xi32>,
    %get3A_687 = arith.constant 576 : index
    %get3A_688 = tpu.vector_load %arg11[%get3A_687] {strides = array<i32>} : memref<1024xi32, #tpu.memory_space<vmem>>, vector<16xi32>,
    %get3A_689 = arith.constant 576 : index
    %get3A_690 = tpu.vector_load %arg10[%get3A_689] {strides = array<i32>} : memref<1024xi32, #tpu.memory_space<vmem>>, vector<16xi32>,
    %ne3A_691 = arith.constant 0 : i32
    %ne3A_692 = vector.broadcast %ne3A_691 : i32 to vector<16xi32>
    %ne3A_693 = arith.cmpi ne, %get3A_690, %ne3A_692 : vector<16xi32>
    %jit3A_694 = arith.constant 32000 : i32
    %broadcast_in_dim3A_695 = vector.broadcast %jit3A_694 : i32 to vector<16xi32>
    %select_n3A_696 = arith.select %ne3A_693, %broadcast_in_dim3A_695, %get3A_688 : vector<16xi1>, vector<16xi32>
    %swap3A_697 = arith.constant 576 : index
    %swap3A_698 = tpu.vector_load %arg12[%swap3A_697] {strides = array<i32>} : memref<1024xi32, #tpu.memory_space<vmem>>, vector<16xi32>,
    tpu.vector_store %arg12[%swap3A_697], %select_n3A_696 {strides = array<i32>} : memref<1024xi32, #tpu.memory_space<vmem>>, vector<16xi32>,
    %jit3A_699 = arith.constant -100 : i32
    %broadcast_in_dim3A_700 = vector.broadcast %jit3A_699 : i32 to vector<16xi32>
    %select_n3A_701 = arith.select %ne3A_693, %get3A_688, %broadcast_in_dim3A_700 : vector<16xi1>, vector<16xi32>
    %swap3A_702 = arith.constant 576 : index
    %swap3A_703 = tpu.vector_load %arg13[%swap3A_702] {strides = array<i32>} : memref<1024xi32, #tpu.memory_space<vmem>>, vector<16xi32>,
    tpu.vector_store %arg13[%swap3A_702], %select_n3A_701 {strides = array<i32>} : memref<1024xi32, #tpu.memory_space<vmem>>, vector<16xi32>,
    %get3A_704 = arith.constant 592 : index
    %get3A_705 = tpu.vector_load %arg11[%get3A_704] {strides = array<i32>} : memref<1024xi32, #tpu.memory_space<vmem>>, vector<16xi32>,
    %get3A_706 = arith.constant 592 : index
    %get3A_707 = tpu.vector_load %arg10[%get3A_706] {strides = array<i32>} : memref<1024xi32, #tpu.memory_space<vmem>>, vector<16xi32>,
    %ne3A_708 = arith.constant 0 : i32
    %ne3A_709 = vector.broadcast %ne3A_708 : i32 to vector<16xi32>
    %ne3A_710 = arith.cmpi ne, %get3A_707, %ne3A_709 : vector<16xi32>
    %jit3A_711 = arith.constant 32000 : i32
    %broadcast_in_dim3A_712 = vector.broadcast %jit3A_711 : i32 to vector<16xi32>
    %select_n3A_713 = arith.select %ne3A_710, %broadcast_in_dim3A_712, %get3A_705 : vector<16xi1>, vector<16xi32>
    %swap3A_714 = arith.constant 592 : index
    %swap3A_715 = tpu.vector_load %arg12[%swap3A_714] {strides = array<i32>} : memref<1024xi32, #tpu.memory_space<vmem>>, vector<16xi32>,
    tpu.vector_store %arg12[%swap3A_714], %select_n3A_713 {strides = array<i32>} : memref<1024xi32, #tpu.memory_space<vmem>>, vector<16xi32>,
    %jit3A_716 = arith.constant -100 : i32
    %broadcast_in_dim3A_717 = vector.broadcast %jit3A_716 : i32 to vector<16xi32>
    %select_n3A_718 = arith.select %ne3A_710, %get3A_705, %broadcast_in_dim3A_717 : vector<16xi1>, vector<16xi32>
    %swap3A_719 = arith.constant 592 : index
    %swap3A_720 = tpu.vector_load %arg13[%swap3A_719] {strides = array<i32>} : memref<1024xi32, #tpu.memory_space<vmem>>, vector<16xi32>,
    tpu.vector_store %arg13[%swap3A_719], %select_n3A_718 {strides = array<i32>} : memref<1024xi32, #tpu.memory_space<vmem>>, vector<16xi32>,
    %get3A_721 = arith.constant 608 : index
    %get3A_722 = tpu.vector_load %arg11[%get3A_721] {strides = array<i32>} : memref<1024xi32, #tpu.memory_space<vmem>>, vector<16xi32>,
    %get3A_723 = arith.constant 608 : index
    %get3A_724 = tpu.vector_load %arg10[%get3A_723] {strides = array<i32>} : memref<1024xi32, #tpu.memory_space<vmem>>, vector<16xi32>,
    %ne3A_725 = arith.constant 0 : i32
    %ne3A_726 = vector.broadcast %ne3A_725 : i32 to vector<16xi32>
    %ne3A_727 = arith.cmpi ne, %get3A_724, %ne3A_726 : vector<16xi32>
    %jit3A_728 = arith.constant 32000 : i32
    %broadcast_in_dim3A_729 = vector.broadcast %jit3A_728 : i32 to vector<16xi32>
    %select_n3A_730 = arith.select %ne3A_727, %broadcast_in_dim3A_729, %get3A_722 : vector<16xi1>, vector<16xi32>
    %swap3A_731 = arith.constant 608 : index
    %swap3A_732 = tpu.vector_load %arg12[%swap3A_731] {strides = array<i32>} : memref<1024xi32, #tpu.memory_space<vmem>>, vector<16xi32>,
    tpu.vector_store %arg12[%swap3A_731], %select_n3A_730 {strides = array<i32>} : memref<1024xi32, #tpu.memory_space<vmem>>, vector<16xi32>,
    %jit3A_733 = arith.constant -100 : i32
    %broadcast_in_dim3A_734 = vector.broadcast %jit3A_733 : i32 to vector<16xi32>
    %select_n3A_735 = arith.select %ne3A_727, %get3A_722, %broadcast_in_dim3A_734 : vector<16xi1>, vector<16xi32>
    %swap3A_736 = arith.constant 608 : index
    %swap3A_737 = tpu.vector_load %arg13[%swap3A_736] {strides = array<i32>} : memref<1024xi32, #tpu.memory_space<vmem>>, vector<16xi32>,
    tpu.vector_store %arg13[%swap3A_736], %select_n3A_735 {strides = array<i32>} : memref<1024xi32, #tpu.memory_space<vmem>>, vector<16xi32>,
    %get3A_738 = arith.constant 624 : index
    %get3A_739 = tpu.vector_load %arg11[%get3A_738] {strides = array<i32>} : memref<1024xi32, #tpu.memory_space<vmem>>, vector<16xi32>,
    %get3A_740 = arith.constant 624 : index
    %get3A_741 = tpu.vector_load %arg10[%get3A_740] {strides = array<i32>} : memref<1024xi32, #tpu.memory_space<vmem>>, vector<16xi32>,
    %ne3A_742 = arith.constant 0 : i32
    %ne3A_743 = vector.broadcast %ne3A_742 : i32 to vector<16xi32>
    %ne3A_744 = arith.cmpi ne, %get3A_741, %ne3A_743 : vector<16xi32>
    %jit3A_745 = arith.constant 32000 : i32
    %broadcast_in_dim3A_746 = vector.broadcast %jit3A_745 : i32 to vector<16xi32>
    %select_n3A_747 = arith.select %ne3A_744, %broadcast_in_dim3A_746, %get3A_739 : vector<16xi1>, vector<16xi32>
    %swap3A_748 = arith.constant 624 : index
    %swap3A_749 = tpu.vector_load %arg12[%swap3A_748] {strides = array<i32>} : memref<1024xi32, #tpu.memory_space<vmem>>, vector<16xi32>,
    tpu.vector_store %arg12[%swap3A_748], %select_n3A_747 {strides = array<i32>} : memref<1024xi32, #tpu.memory_space<vmem>>, vector<16xi32>,
    %jit3A_750 = arith.constant -100 : i32
    %broadcast_in_dim3A_751 = vector.broadcast %jit3A_750 : i32 to vector<16xi32>
    %select_n3A_752 = arith.select %ne3A_744, %get3A_739, %broadcast_in_dim3A_751 : vector<16xi1>, vector<16xi32>
    %swap3A_753 = arith.constant 624 : index
    %swap3A_754 = tpu.vector_load %arg13[%swap3A_753] {strides = array<i32>} : memref<1024xi32, #tpu.memory_space<vmem>>, vector<16xi32>,
    tpu.vector_store %arg13[%swap3A_753], %select_n3A_752 {strides = array<i32>} : memref<1024xi32, #tpu.memory_space<vmem>>, vector<16xi32>,
    %get3A_755 = arith.constant 640 : index
    %get3A_756 = tpu.vector_load %arg11[%get3A_755] {strides = array<i32>} : memref<1024xi32, #tpu.memory_space<vmem>>, vector<16xi32>,
    %get3A_757 = arith.constant 640 : index
    %get3A_758 = tpu.vector_load %arg10[%get3A_757] {strides = array<i32>} : memref<1024xi32, #tpu.memory_space<vmem>>, vector<16xi32>,
    %ne3A_759 = arith.constant 0 : i32
    %ne3A_760 = vector.broadcast %ne3A_759 : i32 to vector<16xi32>
    %ne3A_761 = arith.cmpi ne, %get3A_758, %ne3A_760 : vector<16xi32>
    %jit3A_762 = arith.constant 32000 : i32
    %broadcast_in_dim3A_763 = vector.broadcast %jit3A_762 : i32 to vector<16xi32>
    %select_n3A_764 = arith.select %ne3A_761, %broadcast_in_dim3A_763, %get3A_756 : vector<16xi1>, vector<16xi32>
    %swap3A_765 = arith.constant 640 : index
    %swap3A_766 = tpu.vector_load %arg12[%swap3A_765] {strides = array<i32>} : memref<1024xi32, #tpu.memory_space<vmem>>, vector<16xi32>,
    tpu.vector_store %arg12[%swap3A_765], %select_n3A_764 {strides = array<i32>} : memref<1024xi32, #tpu.memory_space<vmem>>, vector<16xi32>,
    %jit3A_767 = arith.constant -100 : i32
    %broadcast_in_dim3A_768 = vector.broadcast %jit3A_767 : i32 to vector<16xi32>
    %select_n3A_769 = arith.select %ne3A_761, %get3A_756, %broadcast_in_dim3A_768 : vector<16xi1>, vector<16xi32>
    %swap3A_770 = arith.constant 640 : index
    %swap3A_771 = tpu.vector_load %arg13[%swap3A_770] {strides = array<i32>} : memref<1024xi32, #tpu.memory_space<vmem>>, vector<16xi32>,
    tpu.vector_store %arg13[%swap3A_770], %select_n3A_769 {strides = array<i32>} : memref<1024xi32, #tpu.memory_space<vmem>>, vector<16xi32>,
    %get3A_772 = arith.constant 656 : index
    %get3A_773 = tpu.vector_load %arg11[%get3A_772] {strides = array<i32>} : memref<1024xi32, #tpu.memory_space<vmem>>, vector<16xi32>,
    %get3A_774 = arith.constant 656 : index
    %get3A_775 = tpu.vector_load %arg10[%get3A_774] {strides = array<i32>} : memref<1024xi32, #tpu.memory_space<vmem>>, vector<16xi32>,
    %ne3A_776 = arith.constant 0 : i32
    %ne3A_777 = vector.broadcast %ne3A_776 : i32 to vector<16xi32>
    %ne3A_778 = arith.cmpi ne, %get3A_775, %ne3A_777 : vector<16xi32>
    %jit3A_779 = arith.constant 32000 : i32
    %broadcast_in_dim3A_780 = vector.broadcast %jit3A_779 : i32 to vector<16xi32>
    %select_n3A_781 = arith.select %ne3A_778, %broadcast_in_dim3A_780, %get3A_773 : vector<16xi1>, vector<16xi32>
    %swap3A_782 = arith.constant 656 : index
    %swap3A_783 = tpu.vector_load %arg12[%swap3A_782] {strides = array<i32>} : memref<1024xi32, #tpu.memory_space<vmem>>, vector<16xi32>,
    tpu.vector_store %arg12[%swap3A_782], %select_n3A_781 {strides = array<i32>} : memref<1024xi32, #tpu.memory_space<vmem>>, vector<16xi32>,
    %jit3A_784 = arith.constant -100 : i32
    %broadcast_in_dim3A_785 = vector.broadcast %jit3A_784 : i32 to vector<16xi32>
    %select_n3A_786 = arith.select %ne3A_778, %get3A_773, %broadcast_in_dim3A_785 : vector<16xi1>, vector<16xi32>
    %swap3A_787 = arith.constant 656 : index
    %swap3A_788 = tpu.vector_load %arg13[%swap3A_787] {strides = array<i32>} : memref<1024xi32, #tpu.memory_space<vmem>>, vector<16xi32>,
    tpu.vector_store %arg13[%swap3A_787], %select_n3A_786 {strides = array<i32>} : memref<1024xi32, #tpu.memory_space<vmem>>, vector<16xi32>,
    %get3A_789 = arith.constant 672 : index
    %get3A_790 = tpu.vector_load %arg11[%get3A_789] {strides = array<i32>} : memref<1024xi32, #tpu.memory_space<vmem>>, vector<16xi32>,
    %get3A_791 = arith.constant 672 : index
    %get3A_792 = tpu.vector_load %arg10[%get3A_791] {strides = array<i32>} : memref<1024xi32, #tpu.memory_space<vmem>>, vector<16xi32>,
    %ne3A_793 = arith.constant 0 : i32
    %ne3A_794 = vector.broadcast %ne3A_793 : i32 to vector<16xi32>
    %ne3A_795 = arith.cmpi ne, %get3A_792, %ne3A_794 : vector<16xi32>
    %jit3A_796 = arith.constant 32000 : i32
    %broadcast_in_dim3A_797 = vector.broadcast %jit3A_796 : i32 to vector<16xi32>
    %select_n3A_798 = arith.select %ne3A_795, %broadcast_in_dim3A_797, %get3A_790 : vector<16xi1>, vector<16xi32>
    %swap3A_799 = arith.constant 672 : index
    %swap3A_800 = tpu.vector_load %arg12[%swap3A_799] {strides = array<i32>} : memref<1024xi32, #tpu.memory_space<vmem>>, vector<16xi32>,
    tpu.vector_store %arg12[%swap3A_799], %select_n3A_798 {strides = array<i32>} : memref<1024xi32, #tpu.memory_space<vmem>>, vector<16xi32>,
    %jit3A_801 = arith.constant -100 : i32
    %broadcast_in_dim3A_802 = vector.broadcast %jit3A_801 : i32 to vector<16xi32>
    %select_n3A_803 = arith.select %ne3A_795, %get3A_790, %broadcast_in_dim3A_802 : vector<16xi1>, vector<16xi32>
    %swap3A_804 = arith.constant 672 : index
    %swap3A_805 = tpu.vector_load %arg13[%swap3A_804] {strides = array<i32>} : memref<1024xi32, #tpu.memory_space<vmem>>, vector<16xi32>,
    tpu.vector_store %arg13[%swap3A_804], %select_n3A_803 {strides = array<i32>} : memref<1024xi32, #tpu.memory_space<vmem>>, vector<16xi32>,
    %get3A_806 = arith.constant 688 : index
    %get3A_807 = tpu.vector_load %arg11[%get3A_806] {strides = array<i32>} : memref<1024xi32, #tpu.memory_space<vmem>>, vector<16xi32>,
    %get3A_808 = arith.constant 688 : index
    %get3A_809 = tpu.vector_load %arg10[%get3A_808] {strides = array<i32>} : memref<1024xi32, #tpu.memory_space<vmem>>, vector<16xi32>,
    %ne3A_810 = arith.constant 0 : i32
    %ne3A_811 = vector.broadcast %ne3A_810 : i32 to vector<16xi32>
    %ne3A_812 = arith.cmpi ne, %get3A_809, %ne3A_811 : vector<16xi32>
    %jit3A_813 = arith.constant 32000 : i32
    %broadcast_in_dim3A_814 = vector.broadcast %jit3A_813 : i32 to vector<16xi32>
    %select_n3A_815 = arith.select %ne3A_812, %broadcast_in_dim3A_814, %get3A_807 : vector<16xi1>, vector<16xi32>
    %swap3A_816 = arith.constant 688 : index
    %swap3A_817 = tpu.vector_load %arg12[%swap3A_816] {strides = array<i32>} : memref<1024xi32, #tpu.memory_space<vmem>>, vector<16xi32>,
    tpu.vector_store %arg12[%swap3A_816], %select_n3A_815 {strides = array<i32>} : memref<1024xi32, #tpu.memory_space<vmem>>, vector<16xi32>,
    %jit3A_818 = arith.constant -100 : i32
    %broadcast_in_dim3A_819 = vector.broadcast %jit3A_818 : i32 to vector<16xi32>
    %select_n3A_820 = arith.select %ne3A_812, %get3A_807, %broadcast_in_dim3A_819 : vector<16xi1>, vector<16xi32>
    %swap3A_821 = arith.constant 688 : index
    %swap3A_822 = tpu.vector_load %arg13[%swap3A_821] {strides = array<i32>} : memref<1024xi32, #tpu.memory_space<vmem>>, vector<16xi32>,
    tpu.vector_store %arg13[%swap3A_821], %select_n3A_820 {strides = array<i32>} : memref<1024xi32, #tpu.memory_space<vmem>>, vector<16xi32>,
    %get3A_823 = arith.constant 704 : index
    %get3A_824 = tpu.vector_load %arg11[%get3A_823] {strides = array<i32>} : memref<1024xi32, #tpu.memory_space<vmem>>, vector<16xi32>,
    %get3A_825 = arith.constant 704 : index
    %get3A_826 = tpu.vector_load %arg10[%get3A_825] {strides = array<i32>} : memref<1024xi32, #tpu.memory_space<vmem>>, vector<16xi32>,
    %ne3A_827 = arith.constant 0 : i32
    %ne3A_828 = vector.broadcast %ne3A_827 : i32 to vector<16xi32>
    %ne3A_829 = arith.cmpi ne, %get3A_826, %ne3A_828 : vector<16xi32>
    %jit3A_830 = arith.constant 32000 : i32
    %broadcast_in_dim3A_831 = vector.broadcast %jit3A_830 : i32 to vector<16xi32>
    %select_n3A_832 = arith.select %ne3A_829, %broadcast_in_dim3A_831, %get3A_824 : vector<16xi1>, vector<16xi32>
    %swap3A_833 = arith.constant 704 : index
    %swap3A_834 = tpu.vector_load %arg12[%swap3A_833] {strides = array<i32>} : memref<1024xi32, #tpu.memory_space<vmem>>, vector<16xi32>,
    tpu.vector_store %arg12[%swap3A_833], %select_n3A_832 {strides = array<i32>} : memref<1024xi32, #tpu.memory_space<vmem>>, vector<16xi32>,
    %jit3A_835 = arith.constant -100 : i32
    %broadcast_in_dim3A_836 = vector.broadcast %jit3A_835 : i32 to vector<16xi32>
    %select_n3A_837 = arith.select %ne3A_829, %get3A_824, %broadcast_in_dim3A_836 : vector<16xi1>, vector<16xi32>
    %swap3A_838 = arith.constant 704 : index
    %swap3A_839 = tpu.vector_load %arg13[%swap3A_838] {strides = array<i32>} : memref<1024xi32, #tpu.memory_space<vmem>>, vector<16xi32>,
    tpu.vector_store %arg13[%swap3A_838], %select_n3A_837 {strides = array<i32>} : memref<1024xi32, #tpu.memory_space<vmem>>, vector<16xi32>,
    %get3A_840 = arith.constant 720 : index
    %get3A_841 = tpu.vector_load %arg11[%get3A_840] {strides = array<i32>} : memref<1024xi32, #tpu.memory_space<vmem>>, vector<16xi32>,
    %get3A_842 = arith.constant 720 : index
    %get3A_843 = tpu.vector_load %arg10[%get3A_842] {strides = array<i32>} : memref<1024xi32, #tpu.memory_space<vmem>>, vector<16xi32>,
    %ne3A_844 = arith.constant 0 : i32
    %ne3A_845 = vector.broadcast %ne3A_844 : i32 to vector<16xi32>
    %ne3A_846 = arith.cmpi ne, %get3A_843, %ne3A_845 : vector<16xi32>
    %jit3A_847 = arith.constant 32000 : i32
    %broadcast_in_dim3A_848 = vector.broadcast %jit3A_847 : i32 to vector<16xi32>
    %select_n3A_849 = arith.select %ne3A_846, %broadcast_in_dim3A_848, %get3A_841 : vector<16xi1>, vector<16xi32>
    %swap3A_850 = arith.constant 720 : index
    %swap3A_851 = tpu.vector_load %arg12[%swap3A_850] {strides = array<i32>} : memref<1024xi32, #tpu.memory_space<vmem>>, vector<16xi32>,
    tpu.vector_store %arg12[%swap3A_850], %select_n3A_849 {strides = array<i32>} : memref<1024xi32, #tpu.memory_space<vmem>>, vector<16xi32>,
    %jit3A_852 = arith.constant -100 : i32
    %broadcast_in_dim3A_853 = vector.broadcast %jit3A_852 : i32 to vector<16xi32>
    %select_n3A_854 = arith.select %ne3A_846, %get3A_841, %broadcast_in_dim3A_853 : vector<16xi1>, vector<16xi32>
    %swap3A_855 = arith.constant 720 : index
    %swap3A_856 = tpu.vector_load %arg13[%swap3A_855] {strides = array<i32>} : memref<1024xi32, #tpu.memory_space<vmem>>, vector<16xi32>,
    tpu.vector_store %arg13[%swap3A_855], %select_n3A_854 {strides = array<i32>} : memref<1024xi32, #tpu.memory_space<vmem>>, vector<16xi32>,
    %get3A_857 = arith.constant 736 : index
    %get3A_858 = tpu.vector_load %arg11[%get3A_857] {strides = array<i32>} : memref<1024xi32, #tpu.memory_space<vmem>>, vector<16xi32>,
    %get3A_859 = arith.constant 736 : index
    %get3A_860 = tpu.vector_load %arg10[%get3A_859] {strides = array<i32>} : memref<1024xi32, #tpu.memory_space<vmem>>, vector<16xi32>,
    %ne3A_861 = arith.constant 0 : i32
    %ne3A_862 = vector.broadcast %ne3A_861 : i32 to vector<16xi32>
    %ne3A_863 = arith.cmpi ne, %get3A_860, %ne3A_862 : vector<16xi32>
    %jit3A_864 = arith.constant 32000 : i32
    %broadcast_in_dim3A_865 = vector.broadcast %jit3A_864 : i32 to vector<16xi32>
    %select_n3A_866 = arith.select %ne3A_863, %broadcast_in_dim3A_865, %get3A_858 : vector<16xi1>, vector<16xi32>
    %swap3A_867 = arith.constant 736 : index
    %swap3A_868 = tpu.vector_load %arg12[%swap3A_867] {strides = array<i32>} : memref<1024xi32, #tpu.memory_space<vmem>>, vector<16xi32>,
    tpu.vector_store %arg12[%swap3A_867], %select_n3A_866 {strides = array<i32>} : memref<1024xi32, #tpu.memory_space<vmem>>, vector<16xi32>,
    %jit3A_869 = arith.constant -100 : i32
    %broadcast_in_dim3A_870 = vector.broadcast %jit3A_869 : i32 to vector<16xi32>
    %select_n3A_871 = arith.select %ne3A_863, %get3A_858, %broadcast_in_dim3A_870 : vector<16xi1>, vector<16xi32>
    %swap3A_872 = arith.constant 736 : index
    %swap3A_873 = tpu.vector_load %arg13[%swap3A_872] {strides = array<i32>} : memref<1024xi32, #tpu.memory_space<vmem>>, vector<16xi32>,
    tpu.vector_store %arg13[%swap3A_872], %select_n3A_871 {strides = array<i32>} : memref<1024xi32, #tpu.memory_space<vmem>>, vector<16xi32>,
    %get3A_874 = arith.constant 752 : index
    %get3A_875 = tpu.vector_load %arg11[%get3A_874] {strides = array<i32>} : memref<1024xi32, #tpu.memory_space<vmem>>, vector<16xi32>,
    %get3A_876 = arith.constant 752 : index
    %get3A_877 = tpu.vector_load %arg10[%get3A_876] {strides = array<i32>} : memref<1024xi32, #tpu.memory_space<vmem>>, vector<16xi32>,
    %ne3A_878 = arith.constant 0 : i32
    %ne3A_879 = vector.broadcast %ne3A_878 : i32 to vector<16xi32>
    %ne3A_880 = arith.cmpi ne, %get3A_877, %ne3A_879 : vector<16xi32>
    %jit3A_881 = arith.constant 32000 : i32
    %broadcast_in_dim3A_882 = vector.broadcast %jit3A_881 : i32 to vector<16xi32>
    %select_n3A_883 = arith.select %ne3A_880, %broadcast_in_dim3A_882, %get3A_875 : vector<16xi1>, vector<16xi32>
    %swap3A_884 = arith.constant 752 : index
    %swap3A_885 = tpu.vector_load %arg12[%swap3A_884] {strides = array<i32>} : memref<1024xi32, #tpu.memory_space<vmem>>, vector<16xi32>,
    tpu.vector_store %arg12[%swap3A_884], %select_n3A_883 {strides = array<i32>} : memref<1024xi32, #tpu.memory_space<vmem>>, vector<16xi32>,
    %jit3A_886 = arith.constant -100 : i32
    %broadcast_in_dim3A_887 = vector.broadcast %jit3A_886 : i32 to vector<16xi32>
    %select_n3A_888 = arith.select %ne3A_880, %get3A_875, %broadcast_in_dim3A_887 : vector<16xi1>, vector<16xi32>
    %swap3A_889 = arith.constant 752 : index
    %swap3A_890 = tpu.vector_load %arg13[%swap3A_889] {strides = array<i32>} : memref<1024xi32, #tpu.memory_space<vmem>>, vector<16xi32>,
    tpu.vector_store %arg13[%swap3A_889], %select_n3A_888 {strides = array<i32>} : memref<1024xi32, #tpu.memory_space<vmem>>, vector<16xi32>,
    %get3A_891 = arith.constant 768 : index
    %get3A_892 = tpu.vector_load %arg11[%get3A_891] {strides = array<i32>} : memref<1024xi32, #tpu.memory_space<vmem>>, vector<16xi32>,
    %get3A_893 = arith.constant 768 : index
    %get3A_894 = tpu.vector_load %arg10[%get3A_893] {strides = array<i32>} : memref<1024xi32, #tpu.memory_space<vmem>>, vector<16xi32>,
    %ne3A_895 = arith.constant 0 : i32
    %ne3A_896 = vector.broadcast %ne3A_895 : i32 to vector<16xi32>
    %ne3A_897 = arith.cmpi ne, %get3A_894, %ne3A_896 : vector<16xi32>
    %jit3A_898 = arith.constant 32000 : i32
    %broadcast_in_dim3A_899 = vector.broadcast %jit3A_898 : i32 to vector<16xi32>
    %select_n3A_900 = arith.select %ne3A_897, %broadcast_in_dim3A_899, %get3A_892 : vector<16xi1>, vector<16xi32>
    %swap3A_901 = arith.constant 768 : index
    %swap3A_902 = tpu.vector_load %arg12[%swap3A_901] {strides = array<i32>} : memref<1024xi32, #tpu.memory_space<vmem>>, vector<16xi32>,
    tpu.vector_store %arg12[%swap3A_901], %select_n3A_900 {strides = array<i32>} : memref<1024xi32, #tpu.memory_space<vmem>>, vector<16xi32>,
    %jit3A_903 = arith.constant -100 : i32
    %broadcast_in_dim3A_904 = vector.broadcast %jit3A_903 : i32 to vector<16xi32>
    %select_n3A_905 = arith.select %ne3A_897, %get3A_892, %broadcast_in_dim3A_904 : vector<16xi1>, vector<16xi32>
    %swap3A_906 = arith.constant 768 : index
    %swap3A_907 = tpu.vector_load %arg13[%swap3A_906] {strides = array<i32>} : memref<1024xi32, #tpu.memory_space<vmem>>, vector<16xi32>,
    tpu.vector_store %arg13[%swap3A_906], %select_n3A_905 {strides = array<i32>} : memref<1024xi32, #tpu.memory_space<vmem>>, vector<16xi32>,
    %get3A_908 = arith.constant 784 : index
    %get3A_909 = tpu.vector_load %arg11[%get3A_908] {strides = array<i32>} : memref<1024xi32, #tpu.memory_space<vmem>>, vector<16xi32>,
    %get3A_910 = arith.constant 784 : index
    %get3A_911 = tpu.vector_load %arg10[%get3A_910] {strides = array<i32>} : memref<1024xi32, #tpu.memory_space<vmem>>, vector<16xi32>,
    %ne3A_912 = arith.constant 0 : i32
    %ne3A_913 = vector.broadcast %ne3A_912 : i32 to vector<16xi32>
    %ne3A_914 = arith.cmpi ne, %get3A_911, %ne3A_913 : vector<16xi32>
    %jit3A_915 = arith.constant 32000 : i32
    %broadcast_in_dim3A_916 = vector.broadcast %jit3A_915 : i32 to vector<16xi32>
    %select_n3A_917 = arith.select %ne3A_914, %broadcast_in_dim3A_916, %get3A_909 : vector<16xi1>, vector<16xi32>
    %swap3A_918 = arith.constant 784 : index
    %swap3A_919 = tpu.vector_load %arg12[%swap3A_918] {strides = array<i32>} : memref<1024xi32, #tpu.memory_space<vmem>>, vector<16xi32>,
    tpu.vector_store %arg12[%swap3A_918], %select_n3A_917 {strides = array<i32>} : memref<1024xi32, #tpu.memory_space<vmem>>, vector<16xi32>,
    %jit3A_920 = arith.constant -100 : i32
    %broadcast_in_dim3A_921 = vector.broadcast %jit3A_920 : i32 to vector<16xi32>
    %select_n3A_922 = arith.select %ne3A_914, %get3A_909, %broadcast_in_dim3A_921 : vector<16xi1>, vector<16xi32>
    %swap3A_923 = arith.constant 784 : index
    %swap3A_924 = tpu.vector_load %arg13[%swap3A_923] {strides = array<i32>} : memref<1024xi32, #tpu.memory_space<vmem>>, vector<16xi32>,
    tpu.vector_store %arg13[%swap3A_923], %select_n3A_922 {strides = array<i32>} : memref<1024xi32, #tpu.memory_space<vmem>>, vector<16xi32>,
    %get3A_925 = arith.constant 800 : index
    %get3A_926 = tpu.vector_load %arg11[%get3A_925] {strides = array<i32>} : memref<1024xi32, #tpu.memory_space<vmem>>, vector<16xi32>,
    %get3A_927 = arith.constant 800 : index
    %get3A_928 = tpu.vector_load %arg10[%get3A_927] {strides = array<i32>} : memref<1024xi32, #tpu.memory_space<vmem>>, vector<16xi32>,
    %ne3A_929 = arith.constant 0 : i32
    %ne3A_930 = vector.broadcast %ne3A_929 : i32 to vector<16xi32>
    %ne3A_931 = arith.cmpi ne, %get3A_928, %ne3A_930 : vector<16xi32>
    %jit3A_932 = arith.constant 32000 : i32
    %broadcast_in_dim3A_933 = vector.broadcast %jit3A_932 : i32 to vector<16xi32>
    %select_n3A_934 = arith.select %ne3A_931, %broadcast_in_dim3A_933, %get3A_926 : vector<16xi1>, vector<16xi32>
    %swap3A_935 = arith.constant 800 : index
    %swap3A_936 = tpu.vector_load %arg12[%swap3A_935] {strides = array<i32>} : memref<1024xi32, #tpu.memory_space<vmem>>, vector<16xi32>,
    tpu.vector_store %arg12[%swap3A_935], %select_n3A_934 {strides = array<i32>} : memref<1024xi32, #tpu.memory_space<vmem>>, vector<16xi32>,
    %jit3A_937 = arith.constant -100 : i32
    %broadcast_in_dim3A_938 = vector.broadcast %jit3A_937 : i32 to vector<16xi32>
    %select_n3A_939 = arith.select %ne3A_931, %get3A_926, %broadcast_in_dim3A_938 : vector<16xi1>, vector<16xi32>
    %swap3A_940 = arith.constant 800 : index
    %swap3A_941 = tpu.vector_load %arg13[%swap3A_940] {strides = array<i32>} : memref<1024xi32, #tpu.memory_space<vmem>>, vector<16xi32>,
    tpu.vector_store %arg13[%swap3A_940], %select_n3A_939 {strides = array<i32>} : memref<1024xi32, #tpu.memory_space<vmem>>, vector<16xi32>,
    %get3A_942 = arith.constant 816 : index
    %get3A_943 = tpu.vector_load %arg11[%get3A_942] {strides = array<i32>} : memref<1024xi32, #tpu.memory_space<vmem>>, vector<16xi32>,
    %get3A_944 = arith.constant 816 : index
    %get3A_945 = tpu.vector_load %arg10[%get3A_944] {strides = array<i32>} : memref<1024xi32, #tpu.memory_space<vmem>>, vector<16xi32>,
    %ne3A_946 = arith.constant 0 : i32
    %ne3A_947 = vector.broadcast %ne3A_946 : i32 to vector<16xi32>
    %ne3A_948 = arith.cmpi ne, %get3A_945, %ne3A_947 : vector<16xi32>
    %jit3A_949 = arith.constant 32000 : i32
    %broadcast_in_dim3A_950 = vector.broadcast %jit3A_949 : i32 to vector<16xi32>
    %select_n3A_951 = arith.select %ne3A_948, %broadcast_in_dim3A_950, %get3A_943 : vector<16xi1>, vector<16xi32>
    %swap3A_952 = arith.constant 816 : index
    %swap3A_953 = tpu.vector_load %arg12[%swap3A_952] {strides = array<i32>} : memref<1024xi32, #tpu.memory_space<vmem>>, vector<16xi32>,
    tpu.vector_store %arg12[%swap3A_952], %select_n3A_951 {strides = array<i32>} : memref<1024xi32, #tpu.memory_space<vmem>>, vector<16xi32>,
    %jit3A_954 = arith.constant -100 : i32
    %broadcast_in_dim3A_955 = vector.broadcast %jit3A_954 : i32 to vector<16xi32>
    %select_n3A_956 = arith.select %ne3A_948, %get3A_943, %broadcast_in_dim3A_955 : vector<16xi1>, vector<16xi32>
    %swap3A_957 = arith.constant 816 : index
    %swap3A_958 = tpu.vector_load %arg13[%swap3A_957] {strides = array<i32>} : memref<1024xi32, #tpu.memory_space<vmem>>, vector<16xi32>,
    tpu.vector_store %arg13[%swap3A_957], %select_n3A_956 {strides = array<i32>} : memref<1024xi32, #tpu.memory_space<vmem>>, vector<16xi32>,
    %get3A_959 = arith.constant 832 : index
    %get3A_960 = tpu.vector_load %arg11[%get3A_959] {strides = array<i32>} : memref<1024xi32, #tpu.memory_space<vmem>>, vector<16xi32>,
    %get3A_961 = arith.constant 832 : index
    %get3A_962 = tpu.vector_load %arg10[%get3A_961] {strides = array<i32>} : memref<1024xi32, #tpu.memory_space<vmem>>, vector<16xi32>,
    %ne3A_963 = arith.constant 0 : i32
    %ne3A_964 = vector.broadcast %ne3A_963 : i32 to vector<16xi32>
    %ne3A_965 = arith.cmpi ne, %get3A_962, %ne3A_964 : vector<16xi32>
    %jit3A_966 = arith.constant 32000 : i32
    %broadcast_in_dim3A_967 = vector.broadcast %jit3A_966 : i32 to vector<16xi32>
    %select_n3A_968 = arith.select %ne3A_965, %broadcast_in_dim3A_967, %get3A_960 : vector<16xi1>, vector<16xi32>
    %swap3A_969 = arith.constant 832 : index
    %swap3A_970 = tpu.vector_load %arg12[%swap3A_969] {strides = array<i32>} : memref<1024xi32, #tpu.memory_space<vmem>>, vector<16xi32>,
    tpu.vector_store %arg12[%swap3A_969], %select_n3A_968 {strides = array<i32>} : memref<1024xi32, #tpu.memory_space<vmem>>, vector<16xi32>,
    %jit3A_971 = arith.constant -100 : i32
    %broadcast_in_dim3A_972 = vector.broadcast %jit3A_971 : i32 to vector<16xi32>
    %select_n3A_973 = arith.select %ne3A_965, %get3A_960, %broadcast_in_dim3A_972 : vector<16xi1>, vector<16xi32>
    %swap3A_974 = arith.constant 832 : index
    %swap3A_975 = tpu.vector_load %arg13[%swap3A_974] {strides = array<i32>} : memref<1024xi32, #tpu.memory_space<vmem>>, vector<16xi32>,
    tpu.vector_store %arg13[%swap3A_974], %select_n3A_973 {strides = array<i32>} : memref<1024xi32, #tpu.memory_space<vmem>>, vector<16xi32>,
    %get3A_976 = arith.constant 848 : index
    %get3A_977 = tpu.vector_load %arg11[%get3A_976] {strides = array<i32>} : memref<1024xi32, #tpu.memory_space<vmem>>, vector<16xi32>,
    %get3A_978 = arith.constant 848 : index
    %get3A_979 = tpu.vector_load %arg10[%get3A_978] {strides = array<i32>} : memref<1024xi32, #tpu.memory_space<vmem>>, vector<16xi32>,
    %ne3A_980 = arith.constant 0 : i32
    %ne3A_981 = vector.broadcast %ne3A_980 : i32 to vector<16xi32>
    %ne3A_982 = arith.cmpi ne, %get3A_979, %ne3A_981 : vector<16xi32>
    %jit3A_983 = arith.constant 32000 : i32
    %broadcast_in_dim3A_984 = vector.broadcast %jit3A_983 : i32 to vector<16xi32>
    %select_n3A_985 = arith.select %ne3A_982, %broadcast_in_dim3A_984, %get3A_977 : vector<16xi1>, vector<16xi32>
    %swap3A_986 = arith.constant 848 : index
    %swap3A_987 = tpu.vector_load %arg12[%swap3A_986] {strides = array<i32>} : memref<1024xi32, #tpu.memory_space<vmem>>, vector<16xi32>,
    tpu.vector_store %arg12[%swap3A_986], %select_n3A_985 {strides = array<i32>} : memref<1024xi32, #tpu.memory_space<vmem>>, vector<16xi32>,
    %jit3A_988 = arith.constant -100 : i32
    %broadcast_in_dim3A_989 = vector.broadcast %jit3A_988 : i32 to vector<16xi32>
    %select_n3A_990 = arith.select %ne3A_982, %get3A_977, %broadcast_in_dim3A_989 : vector<16xi1>, vector<16xi32>
    %swap3A_991 = arith.constant 848 : index
    %swap3A_992 = tpu.vector_load %arg13[%swap3A_991] {strides = array<i32>} : memref<1024xi32, #tpu.memory_space<vmem>>, vector<16xi32>,
    tpu.vector_store %arg13[%swap3A_991], %select_n3A_990 {strides = array<i32>} : memref<1024xi32, #tpu.memory_space<vmem>>, vector<16xi32>,
    %get3A_993 = arith.constant 864 : index
    %get3A_994 = tpu.vector_load %arg11[%get3A_993] {strides = array<i32>} : memref<1024xi32, #tpu.memory_space<vmem>>, vector<16xi32>,
    %get3A_995 = arith.constant 864 : index
    %get3A_996 = tpu.vector_load %arg10[%get3A_995] {strides = array<i32>} : memref<1024xi32, #tpu.memory_space<vmem>>, vector<16xi32>,
    %ne3A_997 = arith.constant 0 : i32
    %ne3A_998 = vector.broadcast %ne3A_997 : i32 to vector<16xi32>
    %ne3A_999 = arith.cmpi ne, %get3A_996, %ne3A_998 : vector<16xi32>
    %jit3A_1000 = arith.constant 32000 : i32
    %broadcast_in_dim3A_1001 = vector.broadcast %jit3A_1000 : i32 to vector<16xi32>
    %select_n3A_1002 = arith.select %ne3A_999, %broadcast_in_dim3A_1001, %get3A_994 : vector<16xi1>, vector<16xi32>
    %swap3A_1003 = arith.constant 864 : index
    %swap3A_1004 = tpu.vector_load %arg12[%swap3A_1003] {strides = array<i32>} : memref<1024xi32, #tpu.memory_space<vmem>>, vector<16xi32>,
    tpu.vector_store %arg12[%swap3A_1003], %select_n3A_1002 {strides = array<i32>} : memref<1024xi32, #tpu.memory_space<vmem>>, vector<16xi32>,
    %jit3A_1005 = arith.constant -100 : i32
    %broadcast_in_dim3A_1006 = vector.broadcast %jit3A_1005 : i32 to vector<16xi32>
    %select_n3A_1007 = arith.select %ne3A_999, %get3A_994, %broadcast_in_dim3A_1006 : vector<16xi1>, vector<16xi32>
    %swap3A_1008 = arith.constant 864 : index
    %swap3A_1009 = tpu.vector_load %arg13[%swap3A_1008] {strides = array<i32>} : memref<1024xi32, #tpu.memory_space<vmem>>, vector<16xi32>,
    tpu.vector_store %arg13[%swap3A_1008], %select_n3A_1007 {strides = array<i32>} : memref<1024xi32, #tpu.memory_space<vmem>>, vector<16xi32>,
    %get3A_1010 = arith.constant 880 : index
    %get3A_1011 = tpu.vector_load %arg11[%get3A_1010] {strides = array<i32>} : memref<1024xi32, #tpu.memory_space<vmem>>, vector<16xi32>,
    %get3A_1012 = arith.constant 880 : index
    %get3A_1013 = tpu.vector_load %arg10[%get3A_1012] {strides = array<i32>} : memref<1024xi32, #tpu.memory_space<vmem>>, vector<16xi32>,
    %ne3A_1014 = arith.constant 0 : i32
    %ne3A_1015 = vector.broadcast %ne3A_1014 : i32 to vector<16xi32>
    %ne3A_1016 = arith.cmpi ne, %get3A_1013, %ne3A_1015 : vector<16xi32>
    %jit3A_1017 = arith.constant 32000 : i32
    %broadcast_in_dim3A_1018 = vector.broadcast %jit3A_1017 : i32 to vector<16xi32>
    %select_n3A_1019 = arith.select %ne3A_1016, %broadcast_in_dim3A_1018, %get3A_1011 : vector<16xi1>, vector<16xi32>
    %swap3A_1020 = arith.constant 880 : index
    %swap3A_1021 = tpu.vector_load %arg12[%swap3A_1020] {strides = array<i32>} : memref<1024xi32, #tpu.memory_space<vmem>>, vector<16xi32>,
    tpu.vector_store %arg12[%swap3A_1020], %select_n3A_1019 {strides = array<i32>} : memref<1024xi32, #tpu.memory_space<vmem>>, vector<16xi32>,
    %jit3A_1022 = arith.constant -100 : i32
    %broadcast_in_dim3A_1023 = vector.broadcast %jit3A_1022 : i32 to vector<16xi32>
    %select_n3A_1024 = arith.select %ne3A_1016, %get3A_1011, %broadcast_in_dim3A_1023 : vector<16xi1>, vector<16xi32>
    %swap3A_1025 = arith.constant 880 : index
    %swap3A_1026 = tpu.vector_load %arg13[%swap3A_1025] {strides = array<i32>} : memref<1024xi32, #tpu.memory_space<vmem>>, vector<16xi32>,
    tpu.vector_store %arg13[%swap3A_1025], %select_n3A_1024 {strides = array<i32>} : memref<1024xi32, #tpu.memory_space<vmem>>, vector<16xi32>,
    %get3A_1027 = arith.constant 896 : index
    %get3A_1028 = tpu.vector_load %arg11[%get3A_1027] {strides = array<i32>} : memref<1024xi32, #tpu.memory_space<vmem>>, vector<16xi32>,
    %get3A_1029 = arith.constant 896 : index
    %get3A_1030 = tpu.vector_load %arg10[%get3A_1029] {strides = array<i32>} : memref<1024xi32, #tpu.memory_space<vmem>>, vector<16xi32>,
    %ne3A_1031 = arith.constant 0 : i32
    %ne3A_1032 = vector.broadcast %ne3A_1031 : i32 to vector<16xi32>
    %ne3A_1033 = arith.cmpi ne, %get3A_1030, %ne3A_1032 : vector<16xi32>
    %jit3A_1034 = arith.constant 32000 : i32
    %broadcast_in_dim3A_1035 = vector.broadcast %jit3A_1034 : i32 to vector<16xi32>
    %select_n3A_1036 = arith.select %ne3A_1033, %broadcast_in_dim3A_1035, %get3A_1028 : vector<16xi1>, vector<16xi32>
    %swap3A_1037 = arith.constant 896 : index
    %swap3A_1038 = tpu.vector_load %arg12[%swap3A_1037] {strides = array<i32>} : memref<1024xi32, #tpu.memory_space<vmem>>, vector<16xi32>,
    tpu.vector_store %arg12[%swap3A_1037], %select_n3A_1036 {strides = array<i32>} : memref<1024xi32, #tpu.memory_space<vmem>>, vector<16xi32>,
    %jit3A_1039 = arith.constant -100 : i32
    %broadcast_in_dim3A_1040 = vector.broadcast %jit3A_1039 : i32 to vector<16xi32>
    %select_n3A_1041 = arith.select %ne3A_1033, %get3A_1028, %broadcast_in_dim3A_1040 : vector<16xi1>, vector<16xi32>
    %swap3A_1042 = arith.constant 896 : index
    %swap3A_1043 = tpu.vector_load %arg13[%swap3A_1042] {strides = array<i32>} : memref<1024xi32, #tpu.memory_space<vmem>>, vector<16xi32>,
    tpu.vector_store %arg13[%swap3A_1042], %select_n3A_1041 {strides = array<i32>} : memref<1024xi32, #tpu.memory_space<vmem>>, vector<16xi32>,
    %get3A_1044 = arith.constant 912 : index
    %get3A_1045 = tpu.vector_load %arg11[%get3A_1044] {strides = array<i32>} : memref<1024xi32, #tpu.memory_space<vmem>>, vector<16xi32>,
    %get3A_1046 = arith.constant 912 : index
    %get3A_1047 = tpu.vector_load %arg10[%get3A_1046] {strides = array<i32>} : memref<1024xi32, #tpu.memory_space<vmem>>, vector<16xi32>,
    %ne3A_1048 = arith.constant 0 : i32
    %ne3A_1049 = vector.broadcast %ne3A_1048 : i32 to vector<16xi32>
    %ne3A_1050 = arith.cmpi ne, %get3A_1047, %ne3A_1049 : vector<16xi32>
    %jit3A_1051 = arith.constant 32000 : i32
    %broadcast_in_dim3A_1052 = vector.broadcast %jit3A_1051 : i32 to vector<16xi32>
    %select_n3A_1053 = arith.select %ne3A_1050, %broadcast_in_dim3A_1052, %get3A_1045 : vector<16xi1>, vector<16xi32>
    %swap3A_1054 = arith.constant 912 : index
    %swap3A_1055 = tpu.vector_load %arg12[%swap3A_1054] {strides = array<i32>} : memref<1024xi32, #tpu.memory_space<vmem>>, vector<16xi32>,
    tpu.vector_store %arg12[%swap3A_1054], %select_n3A_1053 {strides = array<i32>} : memref<1024xi32, #tpu.memory_space<vmem>>, vector<16xi32>,
    %jit3A_1056 = arith.constant -100 : i32
    %broadcast_in_dim3A_1057 = vector.broadcast %jit3A_1056 : i32 to vector<16xi32>
    %select_n3A_1058 = arith.select %ne3A_1050, %get3A_1045, %broadcast_in_dim3A_1057 : vector<16xi1>, vector<16xi32>
    %swap3A_1059 = arith.constant 912 : index
    %swap3A_1060 = tpu.vector_load %arg13[%swap3A_1059] {strides = array<i32>} : memref<1024xi32, #tpu.memory_space<vmem>>, vector<16xi32>,
    tpu.vector_store %arg13[%swap3A_1059], %select_n3A_1058 {strides = array<i32>} : memref<1024xi32, #tpu.memory_space<vmem>>, vector<16xi32>,
    %get3A_1061 = arith.constant 928 : index
    %get3A_1062 = tpu.vector_load %arg11[%get3A_1061] {strides = array<i32>} : memref<1024xi32, #tpu.memory_space<vmem>>, vector<16xi32>,
    %get3A_1063 = arith.constant 928 : index
    %get3A_1064 = tpu.vector_load %arg10[%get3A_1063] {strides = array<i32>} : memref<1024xi32, #tpu.memory_space<vmem>>, vector<16xi32>,
    %ne3A_1065 = arith.constant 0 : i32
    %ne3A_1066 = vector.broadcast %ne3A_1065 : i32 to vector<16xi32>
    %ne3A_1067 = arith.cmpi ne, %get3A_1064, %ne3A_1066 : vector<16xi32>
    %jit3A_1068 = arith.constant 32000 : i32
    %broadcast_in_dim3A_1069 = vector.broadcast %jit3A_1068 : i32 to vector<16xi32>
    %select_n3A_1070 = arith.select %ne3A_1067, %broadcast_in_dim3A_1069, %get3A_1062 : vector<16xi1>, vector<16xi32>
    %swap3A_1071 = arith.constant 928 : index
    %swap3A_1072 = tpu.vector_load %arg12[%swap3A_1071] {strides = array<i32>} : memref<1024xi32, #tpu.memory_space<vmem>>, vector<16xi32>,
    tpu.vector_store %arg12[%swap3A_1071], %select_n3A_1070 {strides = array<i32>} : memref<1024xi32, #tpu.memory_space<vmem>>, vector<16xi32>,
    %jit3A_1073 = arith.constant -100 : i32
    %broadcast_in_dim3A_1074 = vector.broadcast %jit3A_1073 : i32 to vector<16xi32>
    %select_n3A_1075 = arith.select %ne3A_1067, %get3A_1062, %broadcast_in_dim3A_1074 : vector<16xi1>, vector<16xi32>
    %swap3A_1076 = arith.constant 928 : index
    %swap3A_1077 = tpu.vector_load %arg13[%swap3A_1076] {strides = array<i32>} : memref<1024xi32, #tpu.memory_space<vmem>>, vector<16xi32>,
    tpu.vector_store %arg13[%swap3A_1076], %select_n3A_1075 {strides = array<i32>} : memref<1024xi32, #tpu.memory_space<vmem>>, vector<16xi32>,
    %get3A_1078 = arith.constant 944 : index
    %get3A_1079 = tpu.vector_load %arg11[%get3A_1078] {strides = array<i32>} : memref<1024xi32, #tpu.memory_space<vmem>>, vector<16xi32>,
    %get3A_1080 = arith.constant 944 : index
    %get3A_1081 = tpu.vector_load %arg10[%get3A_1080] {strides = array<i32>} : memref<1024xi32, #tpu.memory_space<vmem>>, vector<16xi32>,
    %ne3A_1082 = arith.constant 0 : i32
    %ne3A_1083 = vector.broadcast %ne3A_1082 : i32 to vector<16xi32>
    %ne3A_1084 = arith.cmpi ne, %get3A_1081, %ne3A_1083 : vector<16xi32>
    %jit3A_1085 = arith.constant 32000 : i32
    %broadcast_in_dim3A_1086 = vector.broadcast %jit3A_1085 : i32 to vector<16xi32>
    %select_n3A_1087 = arith.select %ne3A_1084, %broadcast_in_dim3A_1086, %get3A_1079 : vector<16xi1>, vector<16xi32>
    %swap3A_1088 = arith.constant 944 : index
    %swap3A_1089 = tpu.vector_load %arg12[%swap3A_1088] {strides = array<i32>} : memref<1024xi32, #tpu.memory_space<vmem>>, vector<16xi32>,
    tpu.vector_store %arg12[%swap3A_1088], %select_n3A_1087 {strides = array<i32>} : memref<1024xi32, #tpu.memory_space<vmem>>, vector<16xi32>,
    %jit3A_1090 = arith.constant -100 : i32
    %broadcast_in_dim3A_1091 = vector.broadcast %jit3A_1090 : i32 to vector<16xi32>
    %select_n3A_1092 = arith.select %ne3A_1084, %get3A_1079, %broadcast_in_dim3A_1091 : vector<16xi1>, vector<16xi32>
    %swap3A_1093 = arith.constant 944 : index
    %swap3A_1094 = tpu.vector_load %arg13[%swap3A_1093] {strides = array<i32>} : memref<1024xi32, #tpu.memory_space<vmem>>, vector<16xi32>,
    tpu.vector_store %arg13[%swap3A_1093], %select_n3A_1092 {strides = array<i32>} : memref<1024xi32, #tpu.memory_space<vmem>>, vector<16xi32>,
    %get3A_1095 = arith.constant 960 : index
    %get3A_1096 = tpu.vector_load %arg11[%get3A_1095] {strides = array<i32>} : memref<1024xi32, #tpu.memory_space<vmem>>, vector<16xi32>,
    %get3A_1097 = arith.constant 960 : index
    %get3A_1098 = tpu.vector_load %arg10[%get3A_1097] {strides = array<i32>} : memref<1024xi32, #tpu.memory_space<vmem>>, vector<16xi32>,
    %ne3A_1099 = arith.constant 0 : i32
    %ne3A_1100 = vector.broadcast %ne3A_1099 : i32 to vector<16xi32>
    %ne3A_1101 = arith.cmpi ne, %get3A_1098, %ne3A_1100 : vector<16xi32>
    %jit3A_1102 = arith.constant 32000 : i32
    %broadcast_in_dim3A_1103 = vector.broadcast %jit3A_1102 : i32 to vector<16xi32>
    %select_n3A_1104 = arith.select %ne3A_1101, %broadcast_in_dim3A_1103, %get3A_1096 : vector<16xi1>, vector<16xi32>
    %swap3A_1105 = arith.constant 960 : index
    %swap3A_1106 = tpu.vector_load %arg12[%swap3A_1105] {strides = array<i32>} : memref<1024xi32, #tpu.memory_space<vmem>>, vector<16xi32>,
    tpu.vector_store %arg12[%swap3A_1105], %select_n3A_1104 {strides = array<i32>} : memref<1024xi32, #tpu.memory_space<vmem>>, vector<16xi32>,
    %jit3A_1107 = arith.constant -100 : i32
    %broadcast_in_dim3A_1108 = vector.broadcast %jit3A_1107 : i32 to vector<16xi32>
    %select_n3A_1109 = arith.select %ne3A_1101, %get3A_1096, %broadcast_in_dim3A_1108 : vector<16xi1>, vector<16xi32>
    %swap3A_1110 = arith.constant 960 : index
    %swap3A_1111 = tpu.vector_load %arg13[%swap3A_1110] {strides = array<i32>} : memref<1024xi32, #tpu.memory_space<vmem>>, vector<16xi32>,
    tpu.vector_store %arg13[%swap3A_1110], %select_n3A_1109 {strides = array<i32>} : memref<1024xi32, #tpu.memory_space<vmem>>, vector<16xi32>,
    %get3A_1112 = arith.constant 976 : index
    %get3A_1113 = tpu.vector_load %arg11[%get3A_1112] {strides = array<i32>} : memref<1024xi32, #tpu.memory_space<vmem>>, vector<16xi32>,
    %get3A_1114 = arith.constant 976 : index
    %get3A_1115 = tpu.vector_load %arg10[%get3A_1114] {strides = array<i32>} : memref<1024xi32, #tpu.memory_space<vmem>>, vector<16xi32>,
    %ne3A_1116 = arith.constant 0 : i32
    %ne3A_1117 = vector.broadcast %ne3A_1116 : i32 to vector<16xi32>
    %ne3A_1118 = arith.cmpi ne, %get3A_1115, %ne3A_1117 : vector<16xi32>
    %jit3A_1119 = arith.constant 32000 : i32
    %broadcast_in_dim3A_1120 = vector.broadcast %jit3A_1119 : i32 to vector<16xi32>
    %select_n3A_1121 = arith.select %ne3A_1118, %broadcast_in_dim3A_1120, %get3A_1113 : vector<16xi1>, vector<16xi32>
    %swap3A_1122 = arith.constant 976 : index
    %swap3A_1123 = tpu.vector_load %arg12[%swap3A_1122] {strides = array<i32>} : memref<1024xi32, #tpu.memory_space<vmem>>, vector<16xi32>,
    tpu.vector_store %arg12[%swap3A_1122], %select_n3A_1121 {strides = array<i32>} : memref<1024xi32, #tpu.memory_space<vmem>>, vector<16xi32>,
    %jit3A_1124 = arith.constant -100 : i32
    %broadcast_in_dim3A_1125 = vector.broadcast %jit3A_1124 : i32 to vector<16xi32>
    %select_n3A_1126 = arith.select %ne3A_1118, %get3A_1113, %broadcast_in_dim3A_1125 : vector<16xi1>, vector<16xi32>
    %swap3A_1127 = arith.constant 976 : index
    %swap3A_1128 = tpu.vector_load %arg13[%swap3A_1127] {strides = array<i32>} : memref<1024xi32, #tpu.memory_space<vmem>>, vector<16xi32>,
    tpu.vector_store %arg13[%swap3A_1127], %select_n3A_1126 {strides = array<i32>} : memref<1024xi32, #tpu.memory_space<vmem>>, vector<16xi32>,
    %get3A_1129 = arith.constant 992 : index
    %get3A_1130 = tpu.vector_load %arg11[%get3A_1129] {strides = array<i32>} : memref<1024xi32, #tpu.memory_space<vmem>>, vector<16xi32>,
    %get3A_1131 = arith.constant 992 : index
    %get3A_1132 = tpu.vector_load %arg10[%get3A_1131] {strides = array<i32>} : memref<1024xi32, #tpu.memory_space<vmem>>, vector<16xi32>,
    %ne3A_1133 = arith.constant 0 : i32
    %ne3A_1134 = vector.broadcast %ne3A_1133 : i32 to vector<16xi32>
    %ne3A_1135 = arith.cmpi ne, %get3A_1132, %ne3A_1134 : vector<16xi32>
    %jit3A_1136 = arith.constant 32000 : i32
    %broadcast_in_dim3A_1137 = vector.broadcast %jit3A_1136 : i32 to vector<16xi32>
    %select_n3A_1138 = arith.select %ne3A_1135, %broadcast_in_dim3A_1137, %get3A_1130 : vector<16xi1>, vector<16xi32>
    %swap3A_1139 = arith.constant 992 : index
    %swap3A_1140 = tpu.vector_load %arg12[%swap3A_1139] {strides = array<i32>} : memref<1024xi32, #tpu.memory_space<vmem>>, vector<16xi32>,
    tpu.vector_store %arg12[%swap3A_1139], %select_n3A_1138 {strides = array<i32>} : memref<1024xi32, #tpu.memory_space<vmem>>, vector<16xi32>,
    %jit3A_1141 = arith.constant -100 : i32
    %broadcast_in_dim3A_1142 = vector.broadcast %jit3A_1141 : i32 to vector<16xi32>
    %select_n3A_1143 = arith.select %ne3A_1135, %get3A_1130, %broadcast_in_dim3A_1142 : vector<16xi1>, vector<16xi32>
    %swap3A_1144 = arith.constant 992 : index
    %swap3A_1145 = tpu.vector_load %arg13[%swap3A_1144] {strides = array<i32>} : memref<1024xi32, #tpu.memory_space<vmem>>, vector<16xi32>,
    tpu.vector_store %arg13[%swap3A_1144], %select_n3A_1143 {strides = array<i32>} : memref<1024xi32, #tpu.memory_space<vmem>>, vector<16xi32>,
    %get3A_1146 = arith.constant 1008 : index
    %get3A_1147 = tpu.vector_load %arg11[%get3A_1146] {strides = array<i32>} : memref<1024xi32, #tpu.memory_space<vmem>>, vector<16xi32>,
    %get3A_1148 = arith.constant 1008 : index
    %get3A_1149 = tpu.vector_load %arg10[%get3A_1148] {strides = array<i32>} : memref<1024xi32, #tpu.memory_space<vmem>>, vector<16xi32>,
    %ne3A_1150 = arith.constant 0 : i32
    %ne3A_1151 = vector.broadcast %ne3A_1150 : i32 to vector<16xi32>
    %ne3A_1152 = arith.cmpi ne, %get3A_1149, %ne3A_1151 : vector<16xi32>
    %jit3A_1153 = arith.constant 32000 : i32
    %broadcast_in_dim3A_1154 = vector.broadcast %jit3A_1153 : i32 to vector<16xi32>
    %select_n3A_1155 = arith.select %ne3A_1152, %broadcast_in_dim3A_1154, %get3A_1147 : vector<16xi1>, vector<16xi32>
    %swap3A_1156 = arith.constant 1008 : index
    %swap3A_1157 = tpu.vector_load %arg12[%swap3A_1156] {strides = array<i32>} : memref<1024xi32, #tpu.memory_space<vmem>>, vector<16xi32>,
    tpu.vector_store %arg12[%swap3A_1156], %select_n3A_1155 {strides = array<i32>} : memref<1024xi32, #tpu.memory_space<vmem>>, vector<16xi32>,
    %jit3A_1158 = arith.constant -100 : i32
    %broadcast_in_dim3A_1159 = vector.broadcast %jit3A_1158 : i32 to vector<16xi32>
    %select_n3A_1160 = arith.select %ne3A_1152, %get3A_1147, %broadcast_in_dim3A_1159 : vector<16xi1>, vector<16xi32>
    %swap3A_1161 = arith.constant 1008 : index
    %swap3A_1162 = tpu.vector_load %arg13[%swap3A_1161] {strides = array<i32>} : memref<1024xi32, #tpu.memory_space<vmem>>, vector<16xi32>,
    tpu.vector_store %arg13[%swap3A_1161], %select_n3A_1160 {strides = array<i32>} : memref<1024xi32, #tpu.memory_space<vmem>>, vector<16xi32>,
    %dma_start3A_1163 = tpu.memref_slice %arg6[%select_n3A, %mul3A_32] : memref<4x8192xi32, #tpu.memory_space<hbm>> -> memref<1x1024xi32, #tpu.memory_space<hbm>>
    %dma_start3A_1164 = tpu.memref_squeeze %dma_start3A_1163 : memref<1x1024xi32, #tpu.memory_space<hbm>> -> memref<1024xi32, #tpu.memory_space<hbm>>
    %dma_start3A_1165 = tpu.memref_slice %arg6[%select_n3A, %mul3A_32] : memref<4x8192xi32, #tpu.memory_space<hbm>> -> memref<1x1024xi32, #tpu.memory_space<hbm>>
    %dma_start3A_1166 = tpu.memref_squeeze %dma_start3A_1165 : memref<1x1024xi32, #tpu.memory_space<hbm>> -> memref<1024xi32, #tpu.memory_space<hbm>>
    tpu.enqueue_dma source(%arg12 : memref<1024xi32, #tpu.memory_space<vmem>>) target(%dma_start3A_1166 : memref<1024xi32, #tpu.memory_space<hbm>>) target_semaphore(%arg14 : memref<!tpu.dma_semaphore, #tpu.memory_space<semaphore_mem>>)
    %dma_start3A_1167 = tpu.memref_slice %arg7[%select_n3A, %mul3A_32] : memref<4x8192xi32, #tpu.memory_space<hbm>> -> memref<1x1024xi32, #tpu.memory_space<hbm>>
    %dma_start3A_1168 = tpu.memref_squeeze %dma_start3A_1167 : memref<1x1024xi32, #tpu.memory_space<hbm>> -> memref<1024xi32, #tpu.memory_space<hbm>>
    %dma_start3A_1169 = tpu.memref_slice %arg7[%select_n3A, %mul3A_32] : memref<4x8192xi32, #tpu.memory_space<hbm>> -> memref<1x1024xi32, #tpu.memory_space<hbm>>
    %dma_start3A_1170 = tpu.memref_squeeze %dma_start3A_1169 : memref<1x1024xi32, #tpu.memory_space<hbm>> -> memref<1024xi32, #tpu.memory_space<hbm>>
    tpu.enqueue_dma source(%arg13 : memref<1024xi32, #tpu.memory_space<vmem>>) target(%dma_start3A_1170 : memref<1024xi32, #tpu.memory_space<hbm>>) target_semaphore(%arg14 : memref<!tpu.dma_semaphore, #tpu.memory_space<semaphore_mem>>)
    %dma_wait3A_1171 = tpu.memref_slice %arg8[%select_n3A, %mul3A_32] : memref<4x8192xi32, #tpu.memory_space<hbm>> -> memref<1x1024xi32, #tpu.memory_space<hbm>>
    %dma_wait3A_1172 = tpu.memref_squeeze %dma_wait3A_1171 : memref<1x1024xi32, #tpu.memory_space<hbm>> -> memref<1024xi32, #tpu.memory_space<hbm>>
    %dma_wait3A_1173 = tpu.memref_slice %arg5[%add3A_59, %mul3A_32] : memref<40x8192xi32, #tpu.memory_space<hbm>> -> memref<1x1024xi32, #tpu.memory_space<hbm>>
    %dma_wait3A_1174 = tpu.memref_squeeze %dma_wait3A_1173 : memref<1x1024xi32, #tpu.memory_space<hbm>> -> memref<1024xi32, #tpu.memory_space<hbm>>
    tpu.wait_dma2 semaphore(%arg15 : memref<!tpu.dma_semaphore, #tpu.memory_space<semaphore_mem>>) src(%dma_wait3A_1174 : memref<1024xi32, #tpu.memory_space<hbm>>) dst(%dma_wait3A_1172 : memref<1024xi32, #tpu.memory_space<hbm>>)
    %dma_wait3A_1175 = tpu.memref_slice %arg6[%select_n3A, %mul3A_32] : memref<4x8192xi32, #tpu.memory_space<hbm>> -> memref<1x1024xi32, #tpu.memory_space<hbm>>
    %dma_wait3A_1176 = tpu.memref_squeeze %dma_wait3A_1175 : memref<1x1024xi32, #tpu.memory_space<hbm>> -> memref<1024xi32, #tpu.memory_space<hbm>>
    %dma_wait3A_1177 = tpu.memref_slice %arg6[%select_n3A, %mul3A_32] : memref<4x8192xi32, #tpu.memory_space<hbm>> -> memref<1x1024xi32, #tpu.memory_space<hbm>>
    %dma_wait3A_1178 = tpu.memref_squeeze %dma_wait3A_1177 : memref<1x1024xi32, #tpu.memory_space<hbm>> -> memref<1024xi32, #tpu.memory_space<hbm>>
    tpu.wait_dma2 semaphore(%arg14 : memref<!tpu.dma_semaphore, #tpu.memory_space<semaphore_mem>>) src(%arg12 : memref<1024xi32, #tpu.memory_space<vmem>>) dst(%dma_wait3A_1178 : memref<1024xi32, #tpu.memory_space<hbm>>)
    %dma_wait3A_1179 = tpu.memref_slice %arg7[%select_n3A, %mul3A_32] : memref<4x8192xi32, #tpu.memory_space<hbm>> -> memref<1x1024xi32, #tpu.memory_space<hbm>>
    %dma_wait3A_1180 = tpu.memref_squeeze %dma_wait3A_1179 : memref<1x1024xi32, #tpu.memory_space<hbm>> -> memref<1024xi32, #tpu.memory_space<hbm>>
    %dma_wait3A_1181 = tpu.memref_slice %arg7[%select_n3A, %mul3A_32] : memref<4x8192xi32, #tpu.memory_space<hbm>> -> memref<1x1024xi32, #tpu.memory_space<hbm>>
    %dma_wait3A_1182 = tpu.memref_squeeze %dma_wait3A_1181 : memref<1x1024xi32, #tpu.memory_space<hbm>> -> memref<1024xi32, #tpu.memory_space<hbm>>
    tpu.wait_dma2 semaphore(%arg14 : memref<!tpu.dma_semaphore, #tpu.memory_space<semaphore_mem>>) src(%arg13 : memref<1024xi32, #tpu.memory_space<vmem>>) dst(%dma_wait3A_1182 : memref<1024xi32, #tpu.memory_space<hbm>>)
    return
  }
}

</mosaic_0001>

<sc_bundles>
// kernel: kernel.3.cloned.1.call-start
scs
__scs_entry_jumppad:
0x0: {  	(pc) =	sbr.rel $0x88, $3  }
0x1: {  	(tag) =	ssettag $0x0;
	lr =	simm.s32 $0x1  }
0x2: {  	[smem:$0x3F9F] =	sst lr;
	_ =	strace $0xD0000000  }
0x3: {  	_ = 	snop  }
0x4: {  	_ = 	snop  }
0x5: {  	_ = 	snop  }
0x6: {  	_ = 	snop  }
0x7: {  	_ = 	snop  }
__scs_overlays_trampoline_lowered:
0x8: {  	[smem:$0x3FAE] =	sst s0  }
0x9: {  	[smem:$0x3FAF] =	sst s1  }
0xa: {  	[smem:$0x3FB0] =	sst s2  }
0xb: {  	[smem:$0x3FB1] =	sst s3  }
0xc: {  	[smem:$0x3FB2] =	sst s4  }
0xd: {  	[smem:$0x3FB3] =	sst s5  }
0xe: {  	[smem:$0x3FB4] =	sst s6  }
0xf: {  	[smem:$0x3FB5] =	sst s7  }
0x10: {  	[smem:$0x3FB6] =	sst s8  }
0x11: {  	[smem:$0x3FB7] =	sst s9;
	s0 =	simm.s32 @!p0 $0x0  }
0x12: {  	s1 =	sld [smem:$0x3F9D];
	s0 =	simm.s32 @p0 $0x1  }
0x13: {  	[smem:$0x3FB8] =	sst s0;
	s0 =	simm.s32 @!p1 $0x0  }
0x14: {  	s2 =	sld [smem:$0x3F9C];
	s0 =	simm.s32 @p1 $0x1  }
0x15: {  	[smem:$0x3FB9] =	sst s0;
	s0 =	simm.s32 @!p2 $0x0  }
0x16: {  	s3 =	sld [smem:$0x3FDB];
	s0 =	simm.s32 @p2 $0x1  }
0x17: {  	s4 =	simm.s32 $0x1BF5;
	[smem:$0x3FBB] =	sst s0  }
0x18: {  	s0 =	sld [smem:$0x3F9E];
	_ =	swait.ge [sflag:s4], $0x0  }
0x19: {  	s7 =	sld [smem:$0x3F9F]  }
0x1a: {  	s8 =	sadd.s32 $0xFFFFE003, lr  }
0x1b: {  	s9 =	sadd.s32 $0xFFFFFEF7, lr;
	s5 =	simm.s32 $0xFFFFFFFF;
	p2 =	slt.u32 s8, $0xFFFFF086  }
0x1c: {  	p1 =	slt.u32 s9, $0xF7A;
	s5 =	simm.s32 @!p2 $0x0  }
0x1d: {  	s5 =	simm.s32 @p1 $0x1;
	p0 =	seq.s32 s7, s2  }
0x1e: {  	s7 =	smul.u32 @!p0 $0xF7A, s2;
	p2 =	seq.s32 @!p0 s5, $0x0  }
0x1f: {  	s9 =	smul.u32 $0xF7A, s1;
	s8 =	simm.s32 @!p0 $0x1BF5;
	p2 =	por !p2, p0  }
0x20: {  	[sflag:s8] =	ssyncset.s32 @!p0 $0xFFFFF086;
	s6 =	sadd.s32 @!p0 s3, s7;
	s7 =	simm.s32 @!p0 $0x108  }
0x21: {  	s3 =	sadd.s32 s3, s9;
	s6 =	sadd.s32 @!p0 $0x88, s6;
	s7 =	simm.s32 @p2 $0x1082  }
0x22: {  	[simem:s7], [sflag:s8] =	dma.local @!p0 [hbm:s6], $0xF7A  }
0x23: {  	s9 =	sor.u32 $0xD0000000, s2;
	s6 =	simm.s32 $0x108;
	_ =	swait.ge @!p0 [sflag:s8], $0x0  }
0x24: {  	s3 =	sadd.s32 $0x88, s3;
	s6 =	simm.s32 @!p1 $0x1082;
	[sflag:s4] =	ssyncset.s32 $0xFFFFF086  }
0x25: {  	[simem:s6], [sflag:s4] =	dma.local [hbm:s3], $0xF7A  }
0x26: {  	[smem:$0x3F9F] =	sst s1;
	(tag) =	ssettag s2;
	_ =	strace s9  }
0x27: {  	s1 =	sld [smem:$0x3FAF]  }
0x28: {  	s2 =	sld [smem:$0x3FB0]  }
0x29: {  	s4 =	sld [smem:$0x3FB2]  }
0x2a: {  	p0 =	seq.s32 s5, $0x0;
	s5 =	sld [smem:$0x3FB3]  }
0x2b: {  	s6 =	sld [smem:$0x3FB4]  }
0x2c: {  	s7 =	sld [smem:$0x3FB5]  }
0x2d: {  	s3 =	simm.s32 $0x108;
	s8 =	sld [smem:$0x3FB6]  }
0x2e: {  	s3 =	simm.s32 @!p0 $0x1082;
	s9 =	sld [smem:$0x3FB7]  }
0x2f: {  	lr =	sadd.s32 s0, s3;
	s0 =	sld [smem:$0x3FAE]  }
0x30: {  	s3 =	sld [smem:$0x3FB1]  }
0x31: {  	[smem:$0x3FBA] =	sst s10  }
0x32: {  	s10 =	sld [smem:$0x3FB8];
	_ =	sdelay $0x3  }
0x33: {  	p0 =	seq.s32 s10, $0x1;
	s10 =	sld [smem:$0x3FBA];
	_ =	sdelay $0x3  }
0x34: {  	[smem:$0x3FBA] =	sst s10  }
0x35: {  	s10 =	sld [smem:$0x3FB9];
	_ =	sdelay $0x3  }
0x36: {  	p1 =	seq.s32 s10, $0x1;
	s10 =	sld [smem:$0x3FBA];
	_ =	sdelay $0x3  }
0x37: {  	[smem:$0x3FBA] =	sst s10  }
0x38: {  	s10 =	sld [smem:$0x3FBB]  }
0x39: {  	_ = 	snop;
	(pc) =	sbr.ind lr, $3  }
0x3a: {  	_ = 	snop  }
0x3b: {  	_ = 	snop  }
0x3c: {  	p2 =	seq.s32 s10, $0x1;
	s10 =	sld [smem:$0x3FBA]  }
0x3d: {  	_ =	shalt  }
0x3e: {  	_ =	shalt  }
0x3f: {  	_ =	shalt  }
0x40: {  	_ =	shalt  }
0x41: {  	_ =	shalt  }
0x42: {  	_ =	shalt  }
0x43: {  	_ =	shalt  }
0x44: {  	_ =	shalt  }
0x45: {  	_ =	shalt  }
0x46: {  	_ =	shalt  }
0x47: {  	_ =	shalt  }
0x48: {  	_ =	shalt  }
0x49: {  	_ =	shalt  }
0x4a: {  	_ =	shalt  }
0x4b: {  	_ =	shalt  }
0x4c: {  	_ =	shalt  }
0x4d: {  	_ =	shalt  }
0x4e: {  	_ =	shalt  }
0x4f: {  	_ =	shalt  }
0x50: {  	_ =	shalt  }
0x51: {  	_ =	shalt  }
0x52: {  	_ =	shalt  }
0x53: {  	_ =	shalt  }
0x54: {  	_ =	shalt  }
0x55: {  	_ =	shalt  }
0x56: {  	_ =	shalt  }
0x57: {  	_ =	shalt  }
0x58: {  	_ =	shalt  }
0x59: {  	_ =	shalt  }
0x5a: {  	_ =	shalt  }
0x5b: {  	_ =	shalt  }
0x5c: {  	_ =	shalt  }
0x5d: {  	_ =	shalt  }
0x5e: {  	_ =	shalt  }
0x5f: {  	_ =	shalt  }
0x60: {  	_ =	shalt  }
0x61: {  	_ =	shalt  }
0x62: {  	_ =	shalt  }
0x63: {  	_ =	shalt  }
0x64: {  	_ =	shalt  }
0x65: {  	_ =	shalt  }
0x66: {  	_ =	shalt  }
0x67: {  	_ =	shalt  }
0x68: {  	_ =	shalt  }
0x69: {  	_ =	shalt  }
0x6a: {  	_ =	shalt  }
0x6b: {  	_ =	shalt  }
0x6c: {  	_ =	shalt  }
0x6d: {  	_ =	shalt  }
0x6e: {  	_ =	shalt  }
0x6f: {  	_ =	shalt  }
0x70: {  	_ =	shalt  }
0x71: {  	_ =	shalt  }
0x72: {  	_ =	shalt  }
0x73: {  	_ =	shalt  }
0x74: {  	_ =	shalt  }
0x75: {  	_ =	shalt  }
0x76: {  	_ =	shalt  }
0x77: {  	_ =	shalt  }
0x78: {  	_ =	shalt  }
0x79: {  	_ =	shalt  }
0x7a: {  	_ =	shalt  }
0x7b: {  	_ =	shalt  }
0x7c: {  	_ =	shalt  }
0x7d: {  	_ =	shalt  }
0x7e: {  	_ =	shalt  }
0x7f: {  	_ =	shalt  }
0x80: {  	_ =	shalt  }
0x81: {  	_ =	shalt  }
0x82: {  	_ =	shalt  }
0x83: {  	_ =	shalt  }
0x84: {  	_ =	shalt  }
0x85: {  	_ =	shalt  }
0x86: {  	_ =	shalt  }
0x87: {  	_ =	shalt  }
.Lfunc_end0:
.L_simem_size_0:
called_computation_lowered:
.L_overlay_start_0:
0x88: {  	s2 =	sld [smem:$0x3FD9]  }
0x89: {  	s3 =	sld [smem:$0x3FFE];
	_ =	sdelay $0x1  }
0x8a: {  	s1 =	srdreg.scid  }
0x8b: {  	s0 =	sand.u32 $0x1, s1  }
0x8c: {  	s14 =	sshll.u32 s0, $0xA;
	s2 =	sadd.s32 s3, s2  }
0x8d: {  	s2 =	sadd.s32 s2, s14  }
0x8e: {  	[smem:$0x3FC6] =	sst s2  }
0x8f: {  	_ = 	snop  }
0x90: {  	s2 =	sld [smem:$0x3FD0];
	_ =	sdelay $0x1  }
0x91: {  	s15 =	sld [smem:$0x3FC9]  }
0x92: {  	s5 =	simm.s32 $0xA;
	s6 =	simm.s32 $0x10;
	s4 =	sld [smem:$0x3FC8]  }
0x93: {  	[smem:s6], [sflag:s5] =	dma.local [hbm:s2], $0x1  }
0x94: {  	_ =	swait.eq [sflag:s5], $0x1  }
0x95: {  	[sflag:s5] =	ssyncset.done $0x0  }
0x96: {  	s16 =	sld [smem:$0x10];
	[sflag:s5] =	ssyncadd.s32 $0xFFFFFFFF  }
0x97: {  	s17 =	sld [smem:$0x11];
	(tm) =	ssettm $0x1  }
0x98: {  	s18 =	sld [smem:$0x3FFB];
	_ =	sdelay $0x3  }
0x99: {  	_ =	strace s18  }
0x9a: {  	s6 =	sld [smem:$0x3FFC];
	_ =	sdelay $0x3  }
0x9b: {  	_ =	strace s6  }
0x9c: {  	s6 =	sld [smem:$0x3FFD];
	_ =	sdelay $0x3  }
0x9d: {  	_ =	strace s6  }
0x9e: {  	_ =	strace $0x8FFFFFFF  }
0x9f: {  	s19 =	sld [smem:$0x3FDB];
	_ =	sdelay $0x1  }
0xa0: {  	s7 =	simm.s32 $_scs_section_size  }
0xa1: {  	s8 =	simm.s32 $_size__tile_overlayer_lowered;
	s9 =	simm.s32 $_tile_overlayer_lowered  }
0xa2: {  	s22 =	simm.s32 $0x1BFF;
	s21 =	sshll.u32 s9, $0x1;
	s6 =	sadd.s32 s7, s19  }
0xa3: {  	s10 =	simm.s32 $0x0;
	s20 =	sshll.u32 s8, $0x1;
	s8 =	sadd.s32 s21, s6  }
0xa4: {  	[timem:s10], [sflag:s22] =	dma.local [hbm:s8], s20  }
0xa5: {  	_ =	swait.ge [sflag:s22], s20  }
0xa6: {  	s7 =	ssub.s32 $0x0, s20;
	[sflag:s22] =	ssyncset.done $0x0  }
0xa7: {  	[sflag:s22] =	ssyncadd.s32 s7;
	_ =	sdelay $0x1  }
0xa8: {  	s23 =	simm.s32 $0x1B8B  }
0xa9: {  	_ =	swait.ge [sflag:s23], $0x1  }
0xaa: {  	[sflag:s23] =	ssyncset.done $0x0  }
0xab: {  	s25 =	simm.s32 $0x1B8E;
	s24 =	sld [smem:$0x3FFE];
	[sflag:s23] =	ssyncadd.s32 $0xFFFFFFFF  }
0xac: {  	s26 =	simm.s32 $execute0_lowered;
	[smem:$0x3FD2] =	sst s25  }
0xad: {  	s8 =	sshll.u32 s26, $0x1;
	_ =	strace $0x80000046;
	[dreg:$0x1] =	wrdreg $0xFFFFFFFF  }
0xae: {  	s28 =	simm.s32 $_size_execute0_lowered;
	s6 =	sadd.s32 s6, s8;
	[dreg:$0x0] =	wrdreg $0x0  }
0xaf: {  	s8 =	sshll.u32 s28, $0x1;
	[dreg:$0x2] =	wrdreg s6  }
0xb0: {  	[dreg:$0x3] =	wrdreg s8  }
0xb1: {  	[dreg:$0x4] =	wrdreg $0xC0  }
0xb2: {  	_ =	task [dreg:s10], $0x5FFFF  }
0xb3: {  	[dreg:$0x1] =	wrdreg $0xFFFFFFFF  }
0xb4: {  	[dreg:$0x0] =	wrdreg $0x60  }
0xb5: {  	[dreg:$0x2] =	wrdreg s4  }
0xb6: {  	[dreg:$0x3] =	wrdreg s15  }
0xb7: {  	[dreg:$0x4] =	wrdreg s24  }
0xb8: {  	[dreg:$0x5] =	wrdreg s16  }
0xb9: {  	[dreg:$0x6] =	wrdreg s17  }
0xba: {  	[dreg:$0x7] =	wrdreg $0x9  }
0xbb: {  	_ =	task.clear_ibuf [dreg:s10], $0x8FFFF;
	_ =	strace $0x90000046  }
0xbc: {  	s29 =	simm.s32 $0x9;
	_ =	strace $0x80000048  }
0xbd: {  	_ =	swait.ge [sflag:s29], $0x1  }
0xbe: {  	[sflag:s29] =	ssyncadd.s32 $0xFFFFFFFF  }
0xbf: {  	_ =	strace $0x90000048  }
0xc0: {  	_ =	sfence  }
0xc1: {  	s30 =	sld [smem:$0x0];
	_ =	sdelay $0x2  }
0xc2: {  	s31 =	sshll.u32 s1, $0xD;
	s1 =	sshrl.u32 s1, $0x2  }
0xc3: {  	s3 =	sand.u32 $0x4000, s31;
	s1 =	sadd.s32 s1, s30  }
0xc4: {  	s0 =	sor.u32 s3, s0;
	s1 =	sshll.u32 s1, $0x11  }
0xc5: {  	s0 =	sor.u32 s1, s0  }
0xc6: {  	s0 =	sadd.s32 $0x8F2B, s0  }
0xc7: {  	[sflag:s0] =	ssyncadd.remote.s32 $0x1  }
0xc8: {  	_ =	sfence.sel $0xFFFF  }
0xc9: {  	[dreg:$0x0] =	wrdreg $0xFFFFFFFF;
	(pc) =	sbr.abs _section_cstart, $3  }
0xca: {  	[dreg:$0x1] =	wrdreg $0xFFFFFFFF  }
0xcb: {  	_ =	task.clear_ibuf [dreg:s10], $0x2FFFF;
	_ =	strace $0x9FFFFFFF  }
0xcc: {  	(tm) =	ssettm $0x7FFFFFFF  }
0xcd: {  	_ =	shalt  }
tec
execute0_lowered:
.L_overlay_start_1:
0x0: {  	(tag) =	ssettag $0x1  }
0x1: {  	s1 =	rddreg [dreg:$0x0]  }
0x2: {  	s6 =	rddreg [dreg:$0x1]  }
0x3: {  	s7 =	rddreg [dreg:$0x2]  }
0x4: {  	s0 =	srdreg.scid;
	s9 =	rddreg [dreg:$0x3];
	s4 =	simm.s32 $0x1  }
0x5: {  	s10 =	rddreg [dreg:$0x4];
	s3 =	simm.s32 $0x0;
	s5 =	sand.u32 $0x1, s0  }
0x6: {  	s13 =	simm.s32 $0x200;
	s0 =	stileid.u32;
	s2 =	sshll.u32 s5, $0x4  }
0x7: {  	[dreg:$0x6] =	wrdreg s1;
	s1 =	sand.u32 $0x7, s0;
	s2 =	sor.u32 s0, s2  }
0x8: {  	s14 =	simm.s32 $0x480;
	p1 =	sne.s32 s1, $0x0;
	p0 =	seq.s32 s2, $0x0  }
0x9: {  	s17 =	simm.s32 $0x40;
	s18 =	simm.s32 $0x400;
	p0 =	por !p1, !p0  }
0xa: {  	s19 =	simm.s32 $0x880;
	s20 =	simm.s32 $0xC80;
	p0 =	por !p0, !p0  }
0xb: {  	[smem:$0x7FF] =	sst s3;
	s8 =	sshrl.u32 s2, $0x3;
	s4 =	simm.s32 @!p0 $0x0  }
0xc: {  	s30 =	ssub.s32 $0x2, s5;
	s5 =	simm.s32 $0x1;
	s15 =	ssub.s32 s8, s4  }
0xd: {  	s16 =	sshll.u32 s0, $0x6;
	s29 =	sshll.u32 s1, $0xC;
	s4 =	sshll.u32 s15, $0xD  }
0xe: {  	s31 =	sshrl.u32 s30, $0x1;
	s11 =	sshll.u32 s15, $0x7;
	s4 =	sand.u32 $0xFFFF8000, s4  }
0xf: {  	s16 =	sor.u32 $0x1C02, s16;
	s11 =	sand.u32 $0x180, s11;
	s8 =	sor.u32 s29, s4  }
0x10: {  	s2 =	rddreg [dreg:$0x5];
	_ =	strace $0x80000047;
	s8 =	sor.u32 s11, s8  }
0x11: {  	s4 =	sadd.s32 $0xA00, s7;
	s11 =	ssub.s32 s30, s31;
	s12 =	sshrl.u32 s8, $0x3  }
0x12: {  	v0 =	vmov s15;
	s8 =	smul.u32 $0xA, s15;
	s11 =	smax.u32 s11, $0x1;
	s15 =	simm.s32 $0x2  }
0x13: {  	v1 =	vlaneseq.u32;
	s7 =	sadd.s32 s12, s7;
	s6 =	sadd.s32 s6, s12;
	s9 =	sadd.s32 s9, s12  }
0x14: {  	vm0 =	veq.s32 v0, v1;
	s10 =	sadd.s32 s10, s12;
	s12 =	simm.s32 $0x80;
	s7 =	sadd.s32 $0xAA00, s7  }
.LBB2_1:
0x15: {  	[tilespmem:s14], [sflag:$0x1] =	stream.strided.gather [hbm4b:s6+s12], $0x400, s13, s12, $0x38;
	[tilespmem:$0x1080] =	vst v63  }
0x16: {  	s21 =	rddreg [dreg:$0x6]  }
0x17: {  	[tilespmem:s3], [sflag:$0x2] =	stream.linear.gather [hbm4b:s21+s3], $0x4, $0x38;
	[tilespmem:$0x1080] =	vst v63  }
0x18: {  	_ =	swait.ge [sflag:s15], $0x4  }
0x19: {  	[sflag:s15] =	ssyncset.done $0x0  }
0x1a: {  	[sflag:s15] =	ssyncadd.s32 $0xFFFFFFFC  }
0x1b: {  	v0 =	vld [tilespmem:$0x0];
	_ =	sdelay $0x4  }
0x1c: {  	v0 =	vxor.u32 $0x80000000, v0  }
0x1d: {  	v0 =	vnsel vm0, $0x80000000, v0  }
0x1e: {  	(xrf0) =	vmax.scan.msk.u32 $0xffff, v0;
	_ =	sdelay $0x5  }
0x1f: {  	v0, _, _ =	vpop (xrf0)  }
0x20: {  	(v2sf) =	vpush v0, $0xF;
	_ =	sdelay $0xe  }
0x21: {  	s31 =	spop (v2sf)  }
0x22: {  	s21 =	sxor.u32 $0x80000000, s31  }
0x23: {  	p0 =	sgt.s32 s21, $0x0  }
0x24: {  	s21 =	simm.s32 @!p0 $0x0  }
0x25: {  	s21 =	smin.u32 s21, $0x9  }
0x26: {  	s21 =	sadd.s32 s8, s21  }
0x27: {  	s22 =	sand.u32 $0x7FFF8, s21  }
0x28: {  	s21 =	sshll.u32 s21, $0x7;
	s22 =	sor.u32 s1, s22  }
0x29: {  	s21 =	sand.u32 $0x380, s21;
	s22 =	sshll.u32 s22, $0xD  }
0x2a: {  	s21 =	sor.u32 s21, s22  }
0x2b: {  	s21 =	sshrl.u32 s21, $0x3  }
0x2c: {  	s21 =	sadd.s32 s4, s21  }
0x2d: {  	[hbm:s7@s17], [sflag:s16] =	dma.strided [hbm:s21@s12], $0x80, s5, $0x10   }
0x2e: {  	[tilespmem:s12], [sflag:$0x1] =	stream.strided.gather [hbm4b:s21+s12], $0x400, s18, s12, $0x38;
	[tilespmem:$0x1080] =	vst v63  }
0x2f: {  	_ =	swait.ge [sflag:s5], $0x400  }
0x30: {  	[sflag:s5] =	ssyncset.done $0x0  }
0x31: {  	[sflag:s5] =	ssyncadd.s32 $0xFFFFFC00  }
0x32: {  	_ =	swait.ge [sflag:s5], $0x400  }
0x33: {  	[sflag:s5] =	ssyncset.done $0x0  }
0x34: {  	[sflag:s5] =	ssyncadd.s32 $0xFFFFFC00  }
0x35: {  	v40 =	vld [tilespmem:$0x80]  }
0x36: {  	v1 =	vld [tilespmem:$0x480]  }
0x37: {  	v2 =	vld [tilespmem:$0x90]  }
0x38: {  	v3 =	vld [tilespmem:$0x490]  }
0x39: {  	v4 =	vld [tilespmem:$0xA0]  }
0x3a: {  	v41 =	vld [tilespmem:$0x4A0];
	vm1 =	veq.s32 v40, $0x0  }
0x3b: {  	v6 =	vld [tilespmem:$0xB0];
	v5 =	vnsel vm1, $0x7D00, v1  }
0x3c: {  	v42 =	vld [tilespmem:$0x4B0];
	v1 =	vsel vm1, $0xFFFFFF9C, v1;
	vm1 =	veq.s32 v2, $0x0;
	[tilespmem:$0x880] =	vst v5  }
0x3d: {  	v44 =	vld [tilespmem:$0xC0];
	[tilespmem:$0xC80] =	vst v1;
	v43 =	vnsel vm1, $0x7D00, v3  }
0x3e: {  	v46 =	vld [tilespmem:$0x4C0];
	v45 =	vsel vm1, $0xFFFFFF9C, v3;
	vm1 =	veq.s32 v4, $0x0;
	[tilespmem:$0x890] =	vst v43  }
0x3f: {  	v48 =	vld [tilespmem:$0xD0];
	[tilespmem:$0xC90] =	vst v45;
	v47 =	vnsel vm1, $0x7D00, v41  }
0x40: {  	v49 =	vld [tilespmem:$0x4D0];
	v0 =	vsel vm1, $0xFFFFFF9C, v41;
	vm1 =	veq.s32 v6, $0x0;
	[tilespmem:$0x8A0] =	vst v47  }
0x41: {  	v51 =	vld [tilespmem:$0xE0];
	[tilespmem:$0xCA0] =	vst v0;
	v50 =	vnsel vm1, $0x7D00, v42  }
0x42: {  	v53 =	vld [tilespmem:$0x4E0];
	v52 =	vsel vm1, $0xFFFFFF9C, v42;
	vm1 =	veq.s32 v44, $0x0;
	[tilespmem:$0x8B0] =	vst v50  }
0x43: {  	v55 =	vld [tilespmem:$0xF0];
	[tilespmem:$0xCB0] =	vst v52;
	v54 =	vnsel vm1, $0x7D00, v46  }
0x44: {  	v57 =	vld [tilespmem:$0x4F0];
	v56 =	vsel vm1, $0xFFFFFF9C, v46;
	vm1 =	veq.s32 v48, $0x0;
	[tilespmem:$0x8C0] =	vst v54  }
0x45: {  	v59 =	vld [tilespmem:$0x100];
	[tilespmem:$0xCC0] =	vst v56;
	v58 =	vnsel vm1, $0x7D00, v49  }
0x46: {  	v61 =	vld [tilespmem:$0x500];
	v60 =	vsel vm1, $0xFFFFFF9C, v49;
	vm1 =	veq.s32 v51, $0x0;
	[tilespmem:$0x8D0] =	vst v58  }
0x47: {  	v63 =	vld [tilespmem:$0x110];
	[tilespmem:$0xCD0] =	vst v60;
	v62 =	vnsel vm1, $0x7D00, v53  }
0x48: {  	v9 =	vld [tilespmem:$0x510];
	v8 =	vsel vm1, $0xFFFFFF9C, v53;
	vm1 =	veq.s32 v55, $0x0;
	[tilespmem:$0x8E0] =	vst v62  }
0x49: {  	v11 =	vld [tilespmem:$0x120];
	[tilespmem:$0xCE0] =	vst v8;
	v10 =	vnsel vm1, $0x7D00, v57  }
0x4a: {  	v13 =	vld [tilespmem:$0x520];
	v12 =	vsel vm1, $0xFFFFFF9C, v57;
	vm1 =	veq.s32 v59, $0x0;
	[tilespmem:$0x8F0] =	vst v10  }
0x4b: {  	v15 =	vld [tilespmem:$0x130];
	[tilespmem:$0xCF0] =	vst v12;
	v14 =	vnsel vm1, $0x7D00, v61  }
0x4c: {  	v17 =	vld [tilespmem:$0x530];
	v16 =	vsel vm1, $0xFFFFFF9C, v61;
	vm1 =	veq.s32 v63, $0x0;
	[tilespmem:$0x900] =	vst v14  }
0x4d: {  	v19 =	vld [tilespmem:$0x140];
	[tilespmem:$0xD00] =	vst v16;
	v18 =	vnsel vm1, $0x7D00, v9  }
0x4e: {  	v21 =	vld [tilespmem:$0x540];
	v20 =	vsel vm1, $0xFFFFFF9C, v9;
	vm1 =	veq.s32 v11, $0x0;
	[tilespmem:$0x910] =	vst v18  }
0x4f: {  	v23 =	vld [tilespmem:$0x150];
	[tilespmem:$0xD10] =	vst v20;
	v22 =	vnsel vm1, $0x7D00, v13  }
0x50: {  	v25 =	vld [tilespmem:$0x550];
	v24 =	vsel vm1, $0xFFFFFF9C, v13;
	vm1 =	veq.s32 v15, $0x0;
	[tilespmem:$0x920] =	vst v22  }
0x51: {  	v27 =	vld [tilespmem:$0x160];
	[tilespmem:$0xD20] =	vst v24;
	v26 =	vnsel vm1, $0x7D00, v17  }
0x52: {  	v29 =	vld [tilespmem:$0x560];
	v28 =	vsel vm1, $0xFFFFFF9C, v17;
	vm1 =	veq.s32 v19, $0x0;
	[tilespmem:$0x930] =	vst v26  }
0x53: {  	v31 =	vld [tilespmem:$0x170];
	[tilespmem:$0xD30] =	vst v28;
	v30 =	vnsel vm1, $0x7D00, v21  }
0x54: {  	v33 =	vld [tilespmem:$0x570];
	v32 =	vsel vm1, $0xFFFFFF9C, v21;
	vm1 =	veq.s32 v23, $0x0;
	[tilespmem:$0x940] =	vst v30  }
0x55: {  	v35 =	vld [tilespmem:$0x180];
	[tilespmem:$0xD40] =	vst v32;
	v34 =	vnsel vm1, $0x7D00, v25  }
0x56: {  	v37 =	vld [tilespmem:$0x580];
	v36 =	vsel vm1, $0xFFFFFF9C, v25;
	vm1 =	veq.s32 v27, $0x0;
	[tilespmem:$0x950] =	vst v34  }
0x57: {  	v39 =	vld [tilespmem:$0x190];
	[tilespmem:$0xD50] =	vst v36;
	v38 =	vnsel vm1, $0x7D00, v29  }
0x58: {  	v41 =	vld [tilespmem:$0x590];
	v40 =	vsel vm1, $0xFFFFFF9C, v29;
	vm1 =	veq.s32 v31, $0x0;
	[tilespmem:$0x960] =	vst v38  }
0x59: {  	v43 =	vld [tilespmem:$0x1A0];
	[tilespmem:$0xD60] =	vst v40;
	v42 =	vnsel vm1, $0x7D00, v33  }
0x5a: {  	v45 =	vld [tilespmem:$0x5A0];
	v44 =	vsel vm1, $0xFFFFFF9C, v33;
	vm1 =	veq.s32 v35, $0x0;
	[tilespmem:$0x970] =	vst v42  }
0x5b: {  	v47 =	vld [tilespmem:$0x1B0];
	[tilespmem:$0xD70] =	vst v44;
	v46 =	vnsel vm1, $0x7D00, v37  }
0x5c: {  	v49 =	vld [tilespmem:$0x5B0];
	v48 =	vsel vm1, $0xFFFFFF9C, v37;
	vm1 =	veq.s32 v39, $0x0;
	[tilespmem:$0x980] =	vst v46  }
0x5d: {  	v51 =	vld [tilespmem:$0x1C0];
	[tilespmem:$0xD80] =	vst v48;
	v50 =	vnsel vm1, $0x7D00, v41  }
0x5e: {  	v53 =	vld [tilespmem:$0x5C0];
	v52 =	vsel vm1, $0xFFFFFF9C, v41;
	vm1 =	veq.s32 v43, $0x0;
	[tilespmem:$0x990] =	vst v50  }
0x5f: {  	v55 =	vld [tilespmem:$0x1D0];
	[tilespmem:$0xD90] =	vst v52;
	v54 =	vnsel vm1, $0x7D00, v45  }
0x60: {  	v57 =	vld [tilespmem:$0x5D0];
	v56 =	vsel vm1, $0xFFFFFF9C, v45;
	vm1 =	veq.s32 v47, $0x0;
	[tilespmem:$0x9A0] =	vst v54  }
0x61: {  	v59 =	vld [tilespmem:$0x1E0];
	[tilespmem:$0xDA0] =	vst v56;
	v58 =	vnsel vm1, $0x7D00, v49  }
0x62: {  	v61 =	vld [tilespmem:$0x5E0];
	v60 =	vsel vm1, $0xFFFFFF9C, v49;
	vm1 =	veq.s32 v51, $0x0;
	[tilespmem:$0x9B0] =	vst v58  }
0x63: {  	v63 =	vld [tilespmem:$0x1F0];
	[tilespmem:$0xDB0] =	vst v60;
	v62 =	vnsel vm1, $0x7D00, v53  }
0x64: {  	v9 =	vld [tilespmem:$0x5F0];
	v8 =	vsel vm1, $0xFFFFFF9C, v53;
	vm1 =	veq.s32 v55, $0x0;
	[tilespmem:$0x9C0] =	vst v62  }
0x65: {  	v11 =	vld [tilespmem:$0x200];
	[tilespmem:$0xDC0] =	vst v8;
	v10 =	vnsel vm1, $0x7D00, v57  }
0x66: {  	v13 =	vld [tilespmem:$0x600];
	v12 =	vsel vm1, $0xFFFFFF9C, v57;
	vm1 =	veq.s32 v59, $0x0;
	[tilespmem:$0x9D0] =	vst v10  }
0x67: {  	v15 =	vld [tilespmem:$0x210];
	[tilespmem:$0xDD0] =	vst v12;
	v14 =	vnsel vm1, $0x7D00, v61  }
0x68: {  	v17 =	vld [tilespmem:$0x610];
	v16 =	vsel vm1, $0xFFFFFF9C, v61;
	vm1 =	veq.s32 v63, $0x0;
	[tilespmem:$0x9E0] =	vst v14  }
0x69: {  	v19 =	vld [tilespmem:$0x220];
	[tilespmem:$0xDE0] =	vst v16;
	v18 =	vnsel vm1, $0x7D00, v9  }
0x6a: {  	v21 =	vld [tilespmem:$0x620];
	v20 =	vsel vm1, $0xFFFFFF9C, v9;
	vm1 =	veq.s32 v11, $0x0;
	[tilespmem:$0x9F0] =	vst v18  }
0x6b: {  	v23 =	vld [tilespmem:$0x230];
	[tilespmem:$0xDF0] =	vst v20;
	v22 =	vnsel vm1, $0x7D00, v13  }
0x6c: {  	v25 =	vld [tilespmem:$0x630];
	v24 =	vsel vm1, $0xFFFFFF9C, v13;
	vm1 =	veq.s32 v15, $0x0;
	[tilespmem:$0xA00] =	vst v22  }
0x6d: {  	v27 =	vld [tilespmem:$0x240];
	[tilespmem:$0xE00] =	vst v24;
	v26 =	vnsel vm1, $0x7D00, v17  }
0x6e: {  	v29 =	vld [tilespmem:$0x640];
	v28 =	vsel vm1, $0xFFFFFF9C, v17;
	vm1 =	veq.s32 v19, $0x0;
	[tilespmem:$0xA10] =	vst v26  }
0x6f: {  	v31 =	vld [tilespmem:$0x250];
	[tilespmem:$0xE10] =	vst v28;
	v30 =	vnsel vm1, $0x7D00, v21  }
0x70: {  	v33 =	vld [tilespmem:$0x650];
	v32 =	vsel vm1, $0xFFFFFF9C, v21;
	vm1 =	veq.s32 v23, $0x0;
	[tilespmem:$0xA20] =	vst v30  }
0x71: {  	v35 =	vld [tilespmem:$0x260];
	[tilespmem:$0xE20] =	vst v32;
	v34 =	vnsel vm1, $0x7D00, v25  }
0x72: {  	v37 =	vld [tilespmem:$0x660];
	v36 =	vsel vm1, $0xFFFFFF9C, v25;
	vm1 =	veq.s32 v27, $0x0;
	[tilespmem:$0xA30] =	vst v34  }
0x73: {  	v39 =	vld [tilespmem:$0x270];
	[tilespmem:$0xE30] =	vst v36;
	v38 =	vnsel vm1, $0x7D00, v29  }
0x74: {  	v41 =	vld [tilespmem:$0x670];
	v40 =	vsel vm1, $0xFFFFFF9C, v29;
	vm1 =	veq.s32 v31, $0x0;
	[tilespmem:$0xA40] =	vst v38  }
0x75: {  	v43 =	vld [tilespmem:$0x280];
	[tilespmem:$0xE40] =	vst v40;
	v42 =	vnsel vm1, $0x7D00, v33  }
0x76: {  	v45 =	vld [tilespmem:$0x680];
	v44 =	vsel vm1, $0xFFFFFF9C, v33;
	vm1 =	veq.s32 v35, $0x0;
	[tilespmem:$0xA50] =	vst v42  }
0x77: {  	v47 =	vld [tilespmem:$0x290];
	[tilespmem:$0xE50] =	vst v44;
	v46 =	vnsel vm1, $0x7D00, v37  }
0x78: {  	v49 =	vld [tilespmem:$0x690];
	v48 =	vsel vm1, $0xFFFFFF9C, v37;
	vm1 =	veq.s32 v39, $0x0;
	[tilespmem:$0xA60] =	vst v46  }
0x79: {  	v51 =	vld [tilespmem:$0x2A0];
	[tilespmem:$0xE60] =	vst v48;
	v50 =	vnsel vm1, $0x7D00, v41  }
0x7a: {  	v53 =	vld [tilespmem:$0x6A0];
	v52 =	vsel vm1, $0xFFFFFF9C, v41;
	vm1 =	veq.s32 v43, $0x0;
	[tilespmem:$0xA70] =	vst v50  }
0x7b: {  	v55 =	vld [tilespmem:$0x2B0];
	[tilespmem:$0xE70] =	vst v52;
	v54 =	vnsel vm1, $0x7D00, v45  }
0x7c: {  	v57 =	vld [tilespmem:$0x6B0];
	v56 =	vsel vm1, $0xFFFFFF9C, v45;
	vm1 =	veq.s32 v47, $0x0;
	[tilespmem:$0xA80] =	vst v54  }
0x7d: {  	v59 =	vld [tilespmem:$0x2C0];
	[tilespmem:$0xE80] =	vst v56;
	v58 =	vnsel vm1, $0x7D00, v49  }
0x7e: {  	v61 =	vld [tilespmem:$0x6C0];
	v60 =	vsel vm1, $0xFFFFFF9C, v49;
	vm1 =	veq.s32 v51, $0x0;
	[tilespmem:$0xA90] =	vst v58  }
0x7f: {  	v63 =	vld [tilespmem:$0x2D0];
	[tilespmem:$0xE90] =	vst v60;
	v62 =	vnsel vm1, $0x7D00, v53  }
0x80: {  	v9 =	vld [tilespmem:$0x6D0];
	v8 =	vsel vm1, $0xFFFFFF9C, v53;
	vm1 =	veq.s32 v55, $0x0;
	[tilespmem:$0xAA0] =	vst v62  }
0x81: {  	v11 =	vld [tilespmem:$0x2E0];
	[tilespmem:$0xEA0] =	vst v8;
	v10 =	vnsel vm1, $0x7D00, v57  }
0x82: {  	v13 =	vld [tilespmem:$0x6E0];
	v12 =	vsel vm1, $0xFFFFFF9C, v57;
	vm1 =	veq.s32 v59, $0x0;
	[tilespmem:$0xAB0] =	vst v10  }
0x83: {  	v15 =	vld [tilespmem:$0x2F0];
	[tilespmem:$0xEB0] =	vst v12;
	v14 =	vnsel vm1, $0x7D00, v61  }
0x84: {  	v17 =	vld [tilespmem:$0x6F0];
	v16 =	vsel vm1, $0xFFFFFF9C, v61;
	vm1 =	veq.s32 v63, $0x0;
	[tilespmem:$0xAC0] =	vst v14  }
0x85: {  	v19 =	vld [tilespmem:$0x300];
	[tilespmem:$0xEC0] =	vst v16;
	v18 =	vnsel vm1, $0x7D00, v9  }
0x86: {  	v21 =	vld [tilespmem:$0x700];
	v20 =	vsel vm1, $0xFFFFFF9C, v9;
	vm1 =	veq.s32 v11, $0x0;
	[tilespmem:$0xAD0] =	vst v18  }
0x87: {  	v23 =	vld [tilespmem:$0x310];
	[tilespmem:$0xED0] =	vst v20;
	v22 =	vnsel vm1, $0x7D00, v13  }
0x88: {  	v25 =	vld [tilespmem:$0x710];
	v24 =	vsel vm1, $0xFFFFFF9C, v13;
	vm1 =	veq.s32 v15, $0x0;
	[tilespmem:$0xAE0] =	vst v22  }
0x89: {  	v27 =	vld [tilespmem:$0x320];
	[tilespmem:$0xEE0] =	vst v24;
	v26 =	vnsel vm1, $0x7D00, v17  }
0x8a: {  	v29 =	vld [tilespmem:$0x720];
	v28 =	vsel vm1, $0xFFFFFF9C, v17;
	vm1 =	veq.s32 v19, $0x0;
	[tilespmem:$0xAF0] =	vst v26  }
0x8b: {  	v31 =	vld [tilespmem:$0x330];
	[tilespmem:$0xEF0] =	vst v28;
	v30 =	vnsel vm1, $0x7D00, v21  }
0x8c: {  	v33 =	vld [tilespmem:$0x730];
	v32 =	vsel vm1, $0xFFFFFF9C, v21;
	vm1 =	veq.s32 v23, $0x0;
	[tilespmem:$0xB00] =	vst v30  }
0x8d: {  	v35 =	vld [tilespmem:$0x340];
	[tilespmem:$0xF00] =	vst v32;
	v34 =	vnsel vm1, $0x7D00, v25  }
0x8e: {  	v37 =	vld [tilespmem:$0x740];
	v36 =	vsel vm1, $0xFFFFFF9C, v25;
	vm1 =	veq.s32 v27, $0x0;
	[tilespmem:$0xB10] =	vst v34  }
0x8f: {  	v39 =	vld [tilespmem:$0x350];
	[tilespmem:$0xF10] =	vst v36;
	v38 =	vnsel vm1, $0x7D00, v29  }
0x90: {  	v41 =	vld [tilespmem:$0x750];
	v40 =	vsel vm1, $0xFFFFFF9C, v29;
	vm1 =	veq.s32 v31, $0x0;
	[tilespmem:$0xB20] =	vst v38  }
0x91: {  	v43 =	vld [tilespmem:$0x360];
	[tilespmem:$0xF20] =	vst v40;
	v42 =	vnsel vm1, $0x7D00, v33  }
0x92: {  	v45 =	vld [tilespmem:$0x760];
	v44 =	vsel vm1, $0xFFFFFF9C, v33;
	vm1 =	veq.s32 v35, $0x0;
	[tilespmem:$0xB30] =	vst v42  }
0x93: {  	v47 =	vld [tilespmem:$0x370];
	[tilespmem:$0xF30] =	vst v44;
	v46 =	vnsel vm1, $0x7D00, v37  }
0x94: {  	v49 =	vld [tilespmem:$0x770];
	v48 =	vsel vm1, $0xFFFFFF9C, v37;
	vm1 =	veq.s32 v39, $0x0;
	[tilespmem:$0xB40] =	vst v46  }
0x95: {  	v51 =	vld [tilespmem:$0x380];
	[tilespmem:$0xF40] =	vst v48;
	v50 =	vnsel vm1, $0x7D00, v41  }
0x96: {  	v53 =	vld [tilespmem:$0x780];
	v52 =	vsel vm1, $0xFFFFFF9C, v41;
	vm1 =	veq.s32 v43, $0x0;
	[tilespmem:$0xB50] =	vst v50  }
0x97: {  	v55 =	vld [tilespmem:$0x390];
	[tilespmem:$0xF50] =	vst v52;
	v54 =	vnsel vm1, $0x7D00, v45  }
0x98: {  	v57 =	vld [tilespmem:$0x790];
	v56 =	vsel vm1, $0xFFFFFF9C, v45;
	vm1 =	veq.s32 v47, $0x0;
	[tilespmem:$0xB60] =	vst v54  }
0x99: {  	v59 =	vld [tilespmem:$0x3A0];
	[tilespmem:$0xF60] =	vst v56;
	v58 =	vnsel vm1, $0x7D00, v49  }
0x9a: {  	v61 =	vld [tilespmem:$0x7A0];
	v60 =	vsel vm1, $0xFFFFFF9C, v49;
	vm1 =	veq.s32 v51, $0x0;
	[tilespmem:$0xB70] =	vst v58  }
0x9b: {  	v63 =	vld [tilespmem:$0x3B0];
	[tilespmem:$0xF70] =	vst v60;
	v62 =	vnsel vm1, $0x7D00, v53  }
0x9c: {  	v9 =	vld [tilespmem:$0x7B0];
	v8 =	vsel vm1, $0xFFFFFF9C, v53;
	vm1 =	veq.s32 v55, $0x0;
	[tilespmem:$0xB80] =	vst v62  }
0x9d: {  	v11 =	vld [tilespmem:$0x3C0];
	[tilespmem:$0xF80] =	vst v8;
	v10 =	vnsel vm1, $0x7D00, v57  }
0x9e: {  	v13 =	vld [tilespmem:$0x7C0];
	v12 =	vsel vm1, $0xFFFFFF9C, v57;
	vm1 =	veq.s32 v59, $0x0;
	[tilespmem:$0xB90] =	vst v10  }
0x9f: {  	v15 =	vld [tilespmem:$0x3D0];
	[tilespmem:$0xF90] =	vst v12;
	v14 =	vnsel vm1, $0x7D00, v61  }
0xa0: {  	v17 =	vld [tilespmem:$0x7D0];
	v16 =	vsel vm1, $0xFFFFFF9C, v61;
	vm1 =	veq.s32 v63, $0x0;
	[tilespmem:$0xBA0] =	vst v14  }
0xa1: {  	v19 =	vld [tilespmem:$0x3E0];
	[tilespmem:$0xFA0] =	vst v16;
	v18 =	vnsel vm1, $0x7D00, v9  }
0xa2: {  	v21 =	vld [tilespmem:$0x7E0];
	v20 =	vsel vm1, $0xFFFFFF9C, v9;
	vm1 =	veq.s32 v11, $0x0;
	[tilespmem:$0xBB0] =	vst v18  }
0xa3: {  	v23 =	vld [tilespmem:$0x3F0];
	[tilespmem:$0xFB0] =	vst v20;
	v22 =	vnsel vm1, $0x7D00, v13  }
0xa4: {  	v25 =	vld [tilespmem:$0x7F0];
	v24 =	vsel vm1, $0xFFFFFF9C, v13;
	vm1 =	veq.s32 v15, $0x0;
	[tilespmem:$0xBC0] =	vst v22  }
0xa5: {  	v27 =	vld [tilespmem:$0x400];
	[tilespmem:$0xFC0] =	vst v24;
	v26 =	vnsel vm1, $0x7D00, v17  }
0xa6: {  	v29 =	vld [tilespmem:$0x800];
	v28 =	vsel vm1, $0xFFFFFF9C, v17;
	vm1 =	veq.s32 v19, $0x0;
	[tilespmem:$0xBD0] =	vst v26  }
0xa7: {  	v31 =	vld [tilespmem:$0x410];
	[tilespmem:$0xFD0] =	vst v28;
	v30 =	vnsel vm1, $0x7D00, v21  }
0xa8: {  	v33 =	vld [tilespmem:$0x810];
	v32 =	vsel vm1, $0xFFFFFF9C, v21;
	vm1 =	veq.s32 v23, $0x0;
	[tilespmem:$0xBE0] =	vst v30  }
0xa9: {  	v35 =	vld [tilespmem:$0x420];
	[tilespmem:$0xFE0] =	vst v32;
	v34 =	vnsel vm1, $0x7D00, v25  }
0xaa: {  	v37 =	vld [tilespmem:$0x820];
	v36 =	vsel vm1, $0xFFFFFF9C, v25;
	vm1 =	veq.s32 v27, $0x0;
	[tilespmem:$0xBF0] =	vst v34  }
0xab: {  	v39 =	vld [tilespmem:$0x430];
	[tilespmem:$0xFF0] =	vst v36;
	v38 =	vnsel vm1, $0x7D00, v29  }
0xac: {  	v41 =	vld [tilespmem:$0x830];
	v40 =	vsel vm1, $0xFFFFFF9C, v29;
	vm1 =	veq.s32 v31, $0x0;
	[tilespmem:$0xC00] =	vst v38  }
0xad: {  	v43 =	vld [tilespmem:$0x440];
	[tilespmem:$0x1000] =	vst v40;
	v42 =	vnsel vm1, $0x7D00, v33  }
0xae: {  	v45 =	vld [tilespmem:$0x840];
	v44 =	vsel vm1, $0xFFFFFF9C, v33;
	vm1 =	veq.s32 v35, $0x0;
	[tilespmem:$0xC10] =	vst v42  }
0xaf: {  	v47 =	vld [tilespmem:$0x450];
	[tilespmem:$0x1010] =	vst v44;
	v46 =	vnsel vm1, $0x7D00, v37  }
0xb0: {  	v49 =	vld [tilespmem:$0x850];
	v48 =	vsel vm1, $0xFFFFFF9C, v37;
	vm1 =	veq.s32 v39, $0x0;
	[tilespmem:$0xC20] =	vst v46  }
0xb1: {  	v51 =	vld [tilespmem:$0x460];
	[tilespmem:$0x1020] =	vst v48;
	v50 =	vnsel vm1, $0x7D00, v41  }
0xb2: {  	v53 =	vld [tilespmem:$0x860];
	v52 =	vsel vm1, $0xFFFFFF9C, v41;
	vm1 =	veq.s32 v43, $0x0;
	[tilespmem:$0xC30] =	vst v50  }
0xb3: {  	v55 =	vld [tilespmem:$0x470];
	[tilespmem:$0x1030] =	vst v52;
	v54 =	vnsel vm1, $0x7D00, v45  }
0xb4: {  	v57 =	vld [tilespmem:$0x870];
	v56 =	vsel vm1, $0xFFFFFF9C, v45;
	vm1 =	veq.s32 v47, $0x0;
	[tilespmem:$0xC40] =	vst v54  }
0xb5: {  	[tilespmem:$0x1040] =	vst v56;
	v58 =	vnsel vm1, $0x7D00, v49  }
0xb6: {  	v59 =	vsel vm1, $0xFFFFFF9C, v49;
	vm1 =	veq.s32 v51, $0x0;
	[tilespmem:$0xC50] =	vst v58  }
0xb7: {  	[tilespmem:$0x1050] =	vst v59;
	v60 =	vnsel vm1, $0x7D00, v53  }
0xb8: {  	v61 =	vsel vm1, $0xFFFFFF9C, v53;
	vm1 =	veq.s32 v55, $0x0;
	[tilespmem:$0xC60] =	vst v60  }
0xb9: {  	[tilespmem:$0x1060] =	vst v61;
	v62 =	vnsel vm1, $0x7D00, v57  }
0xba: {  	v63 =	vsel vm1, $0xFFFFFF9C, v57;
	[tilespmem:$0xC70] =	vst v62  }
0xbb: {  	[tilespmem:$0x1070] =	vst v63  }
0xbc: {  	[hbm4b:s9+s12] =	stream.strided.scatter [tilespmem:s19], [sflag:$0x1], $0x400, s13, s12, $0x38;
	[tilespmem:$0x1080] =	vst v63  }
0xbd: {  	_ = 	snop  }
0xbe: {  	[hbm4b:s10+s12] =	stream.strided.scatter [tilespmem:s20], [sflag:$0x1], $0x400, s13, s12, $0x38;
	[tilespmem:$0x1080] =	vst v63  }
0xbf: {  	_ =	swait.ge [sflag:s15], $0x80  }
0xc0: {  	[sflag:s15] =	ssyncset.done $0x0  }
0xc1: {  	[sflag:s15] =	ssyncadd.s32 $0xFFFFFF80  }
0xc2: {  	p0 =	sne.s32 s11, $0x1;
	_ =	swait.ge [sflag:s5], $0x400  }
.Ltmp0:
0xc3: {  	[sflag:s5] =	ssyncset.done $0x0;
	(pc) =	sbr.rel @p0 .LBB2_1-.Ltmp0, $4  }
0xc4: {  	[sflag:s5] =	ssyncadd.s32 $0xFFFFFC00  }
0xc5: {  	_ =	swait.ge [sflag:s5], $0x400  }
0xc6: {  	[sflag:s5] =	ssyncset.done $0x0  }
0xc7: {  	s11 =	sadd.s32 $0xFFFFFFFF, s11;
	[sflag:s5] =	ssyncadd.s32 $0xFFFFFC00  }
0xc8: {  	_ =	sfence.sel $0x180000  }
0xc9: {  	[bflag:$0x0] =	sbarrier.arrive $0xFFFF  }
0xca: {  	p0 =	sne.s32 s0, $0x0;
	_ =	strace $0x90000047  }
0xcb: {  	s0 =	sadd.s32 @!p0 $0x100000, s2;
	[bflag:$0x2] =	sbarrier.arrive $0xFFFF  }
0xcc: {  	[sflag:s0] =	ssyncadd.tile.s32 @!p0 $0x1;
	_ =	shalt  }
.Lfunc_end2:
_tile_overlayer_lowered:
.L_overlay_start_2:
0xcd: {  	(tag) =	ssettag $0x2  }
0xce: {  	s0 =	rddreg [dreg:$0x0];
	s2 =	stileid.u32  }
0xcf: {  	s1 =	rddreg [dreg:$0x1];
	p0 =	sne.s32 s2, $0x0  }
0xd0: {  	s3 =	rddreg [dreg:$0x2];
	[bflag:$0x3] =	sbarrier.arrive $0xFFFF;
	s2 =	simm.s32 @!p0 $0x1C03  }
0xd1: {  	[timem:s3], [sflag:s2] =	dma.local @!p0 [hbm:s0], s1  }
0xd2: {  	s0 =	simm.s32 @!p0 $0x3  }
0xd3: {  	_ =	swait.ge @!p0 [sflag:s0], s1  }
0xd4: {  	s1 =	ssub.s32 @!p0 $0x0, s1;
	[sflag:s0] =	ssyncset.done @!p0 $0x0  }
0xd5: {  	[sflag:s0] =	ssyncadd.s32 @!p0 s1  }
0xd6: {  	[bflag:$0x3] =	sbarrier.arrive $0xFFFF  }
0xd7: {  	_ =	shalt  }

</sc_bundles>
